<compile_context>
chip_gen: v7x
topology: tpu7x:2x2x1
jax: 0.10.2.dev20260603
libtpu: 0.0.44.dev20260713+nightly
codegen_flags: <defaults>
</compile_context>

<pallas_src>
import functools

import jax
import jax.numpy as jnp
from jax import lax
from jax.experimental import pallas as pl
from jax.experimental.pallas import tpu as pltpu
from jax.experimental.pallas import tpu_sc as plsc

NUM_ROWS = 100000
DIM = 64
RANK = 8

NC = 2
NS = 16
NW = NC * NS
IDX_TOTAL = 204800
CHUNK = 512
NCHUNKS = IDX_TOTAL // CHUNK
ITERS = (NCHUNKS + NW - 1) // NW

FUSE_BLK = 16384
FUSE_H = FUSE_BLK // 2
NBLK = (NUM_ROWS + FUSE_BLK - 1) // FUSE_BLK
NPAD = NBLK * FUSE_BLK


def _fuse_body(wt_ref, bt_ref, a_ref, t2_ref):
    tt = wt_ref[...] + jnp.dot(a_ref[...].T, bt_ref[...],
                               preferred_element_type=jnp.float32)
    u = jnp.concatenate([tt[:, :FUSE_H], tt[:, FUSE_H:]],
                        axis=0)
    t2_ref[...] = jnp.transpose(u, (1, 0))


def _fuse_table(Wt, A, Bt):
    return pl.pallas_call(
        _fuse_body,
        grid=(NBLK,),
        in_specs=[
            pl.BlockSpec((DIM, FUSE_BLK), lambda i: (0, i)),
            pl.BlockSpec((RANK, FUSE_BLK), lambda i: (0, i)),
            pl.BlockSpec((RANK, DIM), lambda i: (0, 0)),
        ],
        out_specs=pl.BlockSpec((FUSE_BLK // 2, 2 * DIM), lambda i: (i, 0)),
        out_shape=jax.ShapeDtypeStruct((NPAD // 2, 2 * DIM), jnp.float32),
    )(Wt, Bt, A)


def _sc_gather(table, idx):
    mesh = plsc.VectorSubcoreMesh(core_axis_name="c", subcore_axis_name="s")
    half = CHUNK // 2

    @functools.partial(
        pl.kernel,
        mesh=mesh,
        compiler_params=pltpu.CompilerParams(use_tc_tiling_on_sc=False),
        out_type=jax.ShapeDtypeStruct((NCHUNKS, half, 2 * DIM), jnp.float32),
        scratch_types=[
            pltpu.VMEM((2 * CHUNK,), jnp.int32),
            pltpu.VMEM((2, CHUNK, DIM), jnp.float32),
            pltpu.SemaphoreType.DMA,
            pltpu.SemaphoreType.DMA,
        ],
    )
    def k(table_hbm, idx_hbm, out_hbm, raw_v, rows_v, gsem, wsem):
        wid = lax.axis_index("s") * NC + lax.axis_index("c")

        def chunk_of(it):
            return jnp.minimum(wid + NW * it, NCHUNKS - 1)

        def prep_idx(it):
            t = chunk_of(it)
            buf = lax.rem(it, 2)
            base = 2048 * (t // 4) + half * (t % 4)
            pltpu.sync_copy(idx_hbm.at[pl.ds(base, half)],
                            raw_v.at[pl.ds(CHUNK * buf, half)])
            pltpu.sync_copy(idx_hbm.at[pl.ds(base + 1024, half)],
                            raw_v.at[pl.ds(CHUNK * buf + half, half)])

        def fire(it):
            buf = lax.rem(it, 2)
            descs = []
            for s in range(4):
                descs.append(pltpu.async_copy(
                    table_hbm.at[raw_v.at[pl.ds(CHUNK * buf + 128 * s, 128)]],
                    rows_v.at[buf].at[pl.ds(128 * s, 128)], gsem))
            return descs

        def write(it):
            buf = lax.rem(it, 2)
            t = chunk_of(it)
            for h in range(2):
                pltpu.async_copy(
                    rows_v.at[buf].at[pl.ds(half * h, half)],
                    out_hbm.at[t].at[:, pl.ds(DIM * h, DIM)], wsem)

        def drain_write(it):
            buf = lax.rem(it, 2)
            for h in range(2):
                pltpu.make_async_copy(
                    table_hbm.at[pl.ds(0, half)],
                    rows_v.at[buf].at[pl.ds(half * h, half)], wsem).wait()

        prep_idx(0)
        d0 = fire(0)
        prep_idx(1)
        for d in d0:
            d.wait()
        write(0)

        def body(it, carry):
            descs = fire(it)
            prep_idx(it + 1)
            for d in descs:
                d.wait()
            drain_write(it - 1)
            write(it)
            return carry

        lax.fori_loop(1, ITERS - 1, body, 0)

        it = ITERS - 1
        descs = fire(it)
        for d in descs:
            d.wait()
        drain_write(it - 1)
        write(it)
        drain_write(it)

    return k(table, idx)


def _xpose_body(g_ref, z_ref):
    for r in range(5):
        g = g_ref[r]
        gt0 = jnp.transpose(g[:1024], (1, 0))
        gt1 = jnp.transpose(g[1024:], (1, 0))
        z_ref[r] = jnp.concatenate(
            [gt0[:DIM], gt0[DIM:], gt1[:DIM], gt1[DIM:]], axis=1)


def _xpose(gp):
    return pl.pallas_call(
        _xpose_body,
        grid=(10,),
        in_specs=[pl.BlockSpec((5, 2048, 128), lambda j: (j, 0, 0))],
        out_specs=pl.BlockSpec((5, DIM, 4096), lambda j: (j, 0, 0)),
        out_shape=jax.ShapeDtypeStruct((50, DIM, 4096), jnp.float32),
    )(gp)


def kernel(x, W, A, B):
    t2 = _fuse_table(W.T, A, B.T)
    table = t2.reshape(NPAD, DIM)
    xt = x.T.reshape(IDX_TOTAL)
    idx = ((xt & ~jnp.int32(FUSE_BLK - 1)) | ((xt & (FUSE_H - 1)) << 1)
           | ((xt // FUSE_H) & 1))
    out = _sc_gather(table, idx)
    gp = out.reshape(50, 2048, 2 * DIM)
    z = _xpose(gp)
    return z.transpose(2, 0, 1)

# --- scband reference (transcript-rebuilt; emitter-appended) ---
"""Pipeline reference for scband-lo-raembedding-46729244180804 (READ-ONLY COPY).

The authoritative reference and input builder live on the scoring server;
editing this copy changes nothing except your own understanding.
"""

import jax, jax.numpy as jnp
import numpy as np

NUM_EMB = 100000
EMB_DIM = 64
R = 8
ALPHA = 1.0


def setup_inputs(seed: int = 0) -> dict:
    key = jax.random.key(seed)
    k1, k2, k3, k4 = jax.random.split(key, 4)
    x = jax.random.randint(k1, (4096, 50), 0, NUM_EMB, dtype=jnp.int32)
    W = jax.random.normal(k2, (NUM_EMB, EMB_DIM), dtype=jnp.float32)
    A = jax.random.normal(k3, (R, EMB_DIM), dtype=jnp.float32) * 0.01
    B = jax.random.normal(k4, (NUM_EMB, R), dtype=jnp.float32) * 0.01
    return {"x": x, "W": W, "A": A, "B": B}


def reference(x, W, A, B):
    # base embedding lookup (gather)
    base = jnp.take(W, x, axis=0)            # [4096, 50, 64]
    # LoRA path: gather low-rank rows then project up
    lora = jnp.take(B, x, axis=0) @ A        # [4096, 50, 8] @ [8, 64] -> [4096, 50, 64]
    return base + ALPHA * lora

if __name__ == "__main__":
    import jax
    _d = setup_inputs()
    print(jax.jit(kernel)(*tuple(_d.values())))

</pallas_src>

<mosaic_0001>
#map = affine_map<(d0, d1) -> (0, 0)>
#map1 = affine_map<(d0, d1) -> (0)>
#map2 = affine_map<(d0, d1) -> (0, 0, 0)>
module attributes {stable_mosaic.version = 14 : i64} {
  func.func @k(%arg0: i32, %arg1: i32, %arg2: memref<114688x64xf32, #tpu.memory_space<hbm>>, %arg3: memref<204800xi32, #tpu.memory_space<hbm>>, %arg4: memref<400x256x128xf32, #tpu.memory_space<hbm>>, %arg5: memref<1024xi32, #tpu.memory_space<vmem>>, %arg6: memref<2x512x64xf32, #tpu.memory_space<vmem>>, %arg7: memref<!tpu.dma_semaphore, #tpu.memory_space<semaphore_mem>>, %arg8: memref<!tpu.dma_semaphore, #tpu.memory_space<semaphore_mem>>) attributes {dimension_semantics = [#tpu.dimension_semantics<core_parallel>, #tpu.dimension_semantics<subcore_parallel>], iteration_bounds = array<i64: 2, 16>, scalar_prefetch = 0 : i64, scratch_operands = 4 : i64, tpu.core_type = #tpu.core_type<sc_vector_subcore>, window_params = [{transform_indices = #map}, {transform_indices = #map1}, {transform_indices = #map2}]} {
    %mul3A = arith.constant 2 : i32
    %mul3A_0 = arith.muli %arg1, %mul3A : i32
    %add3A = arith.addi %mul3A_0, %arg0 : i32
    %add3A_1 = arith.constant 0 : i32
    %add3A_2 = arith.addi %add3A, %add3A_1 : i32
    %min3A = arith.constant 399 : i32
    %min3A_3 = arith.minsi %add3A_2, %min3A : i32
    %rem3A = arith.constant 0 : i32
    %rem3A_4 = arith.constant 2 : i32
    %rem3A_5 = arith.remsi %rem3A, %rem3A_4 : i32
    %jit3A = arith.constant 4 : i32
    %div3A = arith.divsi %min3A_3, %jit3A : i32
    %sign3A = arith.constant 0 : i32
    %sign3A_6 = arith.cmpi sgt, %min3A_3, %sign3A : i32
    %sign3A_7 = arith.extui %sign3A_6 : i1 to i32
    %sign3A_8 = arith.constant 0 : i32
    %sign3A_9 = arith.cmpi slt, %min3A_3, %sign3A_8 : i32
    %sign3A_10 = arith.extui %sign3A_9 : i1 to i32
    %sign3A_11 = arith.subi %sign3A_7, %sign3A_10 : i32
    %sign3A_12 = arith.constant 0 : i32
    %sign3A_13 = arith.cmpi sgt, %jit3A, %sign3A_12 : i32
    %sign3A_14 = arith.extui %sign3A_13 : i1 to i32
    %sign3A_15 = arith.constant 0 : i32
    %sign3A_16 = arith.cmpi slt, %jit3A, %sign3A_15 : i32
    %sign3A_17 = arith.extui %sign3A_16 : i1 to i32
    %sign3A_18 = arith.subi %sign3A_14, %sign3A_17 : i32
    %ne3A = arith.cmpi ne, %sign3A_11, %sign3A_18 : i32
    %rem3A_19 = arith.remsi %min3A_3, %jit3A : i32
    %ne3A_20 = arith.constant 0 : i32
    %ne3A_21 = arith.cmpi ne, %rem3A_19, %ne3A_20 : i32
    %and3A = arith.andi %ne3A, %ne3A_21 : i1
    %sub3A = arith.constant 1 : i32
    %sub3A_22 = arith.subi %div3A, %sub3A : i32
    %select_n3A = arith.select %and3A, %sub3A_22, %div3A : i32
    %mul3A_23 = arith.constant 2048 : i32
    %mul3A_24 = arith.muli %mul3A_23, %select_n3A : i32
    %jit3A_25 = arith.constant 4 : i32
    %eq3A = arith.constant 0 : i32
    %eq3A_26 = arith.cmpi eq, %jit3A_25, %eq3A : i32
    %jit3A_27 = arith.constant 1 : i32
    %select_n3A_28 = arith.select %eq3A_26, %jit3A_27, %jit3A_25 : i32
    %rem3A_29 = arith.remsi %min3A_3, %select_n3A_28 : i32
    %ne3A_30 = arith.constant 0 : i32
    %ne3A_31 = arith.cmpi ne, %rem3A_29, %ne3A_30 : i32
    %lt3A = arith.constant 0 : i32
    %lt3A_32 = arith.cmpi slt, %rem3A_29, %lt3A : i32
    %lt3A_33 = arith.constant 0 : i32
    %lt3A_34 = arith.cmpi slt, %select_n3A_28, %lt3A_33 : i32
    %ne3A_35 = arith.xori %lt3A_32, %lt3A_34 : i1
    %and3A_36 = arith.andi %ne3A_35, %ne3A_31 : i1
    %add3A_37 = arith.addi %rem3A_29, %select_n3A_28 : i32
    %select_n3A_38 = arith.select %and3A_36, %add3A_37, %rem3A_29 : i32
    %mul3A_39 = arith.constant 256 : i32
    %mul3A_40 = arith.muli %mul3A_39, %select_n3A_38 : i32
    %add3A_41 = arith.addi %mul3A_24, %mul3A_40 : i32
    %mul3A_42 = arith.constant 512 : i32
    %mul3A_43 = arith.muli %mul3A_42, %rem3A_5 : i32
    "tpu.region"() ({
      %run_scoped3A = tpu.sem_alloc : memref<!tpu.dma_semaphore, #tpu.memory_space<semaphore_mem>>
      %dma_start3A_539 = tpu.memref_slice %arg5[%mul3A_43] : memref<1024xi32, #tpu.memory_space<vmem>> -> memref<256xi32, #tpu.memory_space<vmem>>
      %dma_start3A_540 = tpu.memref_slice %arg3[%add3A_41] : memref<204800xi32, #tpu.memory_space<hbm>> -> memref<256xi32, #tpu.memory_space<hbm>>
      %dma_start3A_541 = tpu.memref_slice %arg5[%mul3A_43] : memref<1024xi32, #tpu.memory_space<vmem>> -> memref<256xi32, #tpu.memory_space<vmem>>
      %dma_start3A_542 = tpu.memref_slice %arg3[%add3A_41] : memref<204800xi32, #tpu.memory_space<hbm>> -> memref<256xi32, #tpu.memory_space<hbm>>
      tpu.enqueue_dma source(%dma_start3A_542 : memref<256xi32, #tpu.memory_space<hbm>>) target(%dma_start3A_541 : memref<256xi32, #tpu.memory_space<vmem>>) target_semaphore(%run_scoped3A : memref<!tpu.dma_semaphore, #tpu.memory_space<semaphore_mem>>)
      %dma_wait3A_543 = tpu.memref_slice %arg5[%mul3A_43] : memref<1024xi32, #tpu.memory_space<vmem>> -> memref<256xi32, #tpu.memory_space<vmem>>
      %dma_wait3A_544 = tpu.memref_slice %arg3[%add3A_41] : memref<204800xi32, #tpu.memory_space<hbm>> -> memref<256xi32, #tpu.memory_space<hbm>>
      %dma_wait3A_545 = tpu.memref_slice %arg5[%mul3A_43] : memref<1024xi32, #tpu.memory_space<vmem>> -> memref<256xi32, #tpu.memory_space<vmem>>
      %dma_wait3A_546 = tpu.memref_slice %arg3[%add3A_41] : memref<204800xi32, #tpu.memory_space<hbm>> -> memref<256xi32, #tpu.memory_space<hbm>>
      tpu.wait_dma2 semaphore(%run_scoped3A : memref<!tpu.dma_semaphore, #tpu.memory_space<semaphore_mem>>) src(%dma_wait3A_546 : memref<256xi32, #tpu.memory_space<hbm>>) dst(%dma_wait3A_545 : memref<256xi32, #tpu.memory_space<vmem>>)
      tpu.yield
    }) : () -> ()
    %add3A_44 = arith.constant 1024 : i32
    %add3A_45 = arith.addi %add3A_41, %add3A_44 : i32
    %mul3A_46 = arith.constant 512 : i32
    %mul3A_47 = arith.muli %mul3A_46, %rem3A_5 : i32
    %add3A_48 = arith.constant 256 : i32
    %add3A_49 = arith.addi %mul3A_47, %add3A_48 : i32
    "tpu.region"() ({
      %run_scoped3A = tpu.sem_alloc : memref<!tpu.dma_semaphore, #tpu.memory_space<semaphore_mem>>
      %dma_start3A_539 = tpu.memref_slice %arg5[%add3A_49] : memref<1024xi32, #tpu.memory_space<vmem>> -> memref<256xi32, #tpu.memory_space<vmem>>
      %dma_start3A_540 = tpu.memref_slice %arg3[%add3A_45] : memref<204800xi32, #tpu.memory_space<hbm>> -> memref<256xi32, #tpu.memory_space<hbm>>
      %dma_start3A_541 = tpu.memref_slice %arg5[%add3A_49] : memref<1024xi32, #tpu.memory_space<vmem>> -> memref<256xi32, #tpu.memory_space<vmem>>
      %dma_start3A_542 = tpu.memref_slice %arg3[%add3A_45] : memref<204800xi32, #tpu.memory_space<hbm>> -> memref<256xi32, #tpu.memory_space<hbm>>
      tpu.enqueue_dma source(%dma_start3A_542 : memref<256xi32, #tpu.memory_space<hbm>>) target(%dma_start3A_541 : memref<256xi32, #tpu.memory_space<vmem>>) target_semaphore(%run_scoped3A : memref<!tpu.dma_semaphore, #tpu.memory_space<semaphore_mem>>)
      %dma_wait3A_543 = tpu.memref_slice %arg5[%add3A_49] : memref<1024xi32, #tpu.memory_space<vmem>> -> memref<256xi32, #tpu.memory_space<vmem>>
      %dma_wait3A_544 = tpu.memref_slice %arg3[%add3A_45] : memref<204800xi32, #tpu.memory_space<hbm>> -> memref<256xi32, #tpu.memory_space<hbm>>
      %dma_wait3A_545 = tpu.memref_slice %arg5[%add3A_49] : memref<1024xi32, #tpu.memory_space<vmem>> -> memref<256xi32, #tpu.memory_space<vmem>>
      %dma_wait3A_546 = tpu.memref_slice %arg3[%add3A_45] : memref<204800xi32, #tpu.memory_space<hbm>> -> memref<256xi32, #tpu.memory_space<hbm>>
      tpu.wait_dma2 semaphore(%run_scoped3A : memref<!tpu.dma_semaphore, #tpu.memory_space<semaphore_mem>>) src(%dma_wait3A_546 : memref<256xi32, #tpu.memory_space<hbm>>) dst(%dma_wait3A_545 : memref<256xi32, #tpu.memory_space<vmem>>)
      tpu.yield
    }) : () -> ()
    %rem3A_50 = arith.constant 0 : i32
    %rem3A_51 = arith.constant 2 : i32
    %rem3A_52 = arith.remsi %rem3A_50, %rem3A_51 : i32
    %mul3A_53 = arith.constant 512 : i32
    %mul3A_54 = arith.muli %mul3A_53, %rem3A_52 : i32
    %add3A_55 = arith.constant 0 : i32
    %add3A_56 = arith.addi %mul3A_54, %add3A_55 : i32
    %dma_start3A = arith.constant 0 : i32
    %dma_start3A_57 = arith.constant 0 : i32
    %dma_start3A_58 = tpu.memref_slice %arg6[%rem3A_52, %dma_start3A, %dma_start3A_57] : memref<2x512x64xf32, #tpu.memory_space<vmem>> -> memref<1x512x64xf32, #tpu.memory_space<vmem>>
    %dma_start3A_59 = tpu.memref_squeeze %dma_start3A_58 : memref<1x512x64xf32, #tpu.memory_space<vmem>> -> memref<512x64xf32, #tpu.memory_space<vmem>>
    %dma_start3A_60 = arith.constant 0 : i32
    %dma_start3A_61 = arith.constant 0 : i32
    %dma_start3A_62 = tpu.memref_slice %dma_start3A_59[%dma_start3A_60, %dma_start3A_61] : memref<512x64xf32, #tpu.memory_space<vmem>> -> memref<128x64xf32, #tpu.memory_space<vmem>>
    %dma_start3A_63 = tpu.memref_slice %arg5[%add3A_56] : memref<1024xi32, #tpu.memory_space<vmem>> -> memref<128xi32, #tpu.memory_space<vmem>>
    %dma_start3A_64 = arith.constant 0 : i32
    %dma_start3A_65 = arith.constant 0 : i32
    %dma_start3A_66 = tpu.memref_slice %arg2[%dma_start3A_64, %dma_start3A_65] : memref<114688x64xf32, #tpu.memory_space<hbm>> -> memref<114688x64xf32, #tpu.memory_space<hbm>>
    tpu.enqueue_indirect_dma source(%dma_start3A_66 : memref<114688x64xf32, #tpu.memory_space<hbm>>) target(%dma_start3A_62 : memref<128x64xf32, #tpu.memory_space<vmem>>) offsets(%dma_start3A_63 : memref<128xi32, #tpu.memory_space<vmem>>) semaphore(%arg7 : memref<!tpu.dma_semaphore, #tpu.memory_space<semaphore_mem>>)
    %mul3A_67 = arith.constant 512 : i32
    %mul3A_68 = arith.muli %mul3A_67, %rem3A_52 : i32
    %add3A_69 = arith.constant 128 : i32
    %add3A_70 = arith.addi %mul3A_68, %add3A_69 : i32
    %dma_start3A_71 = arith.constant 0 : i32
    %dma_start3A_72 = arith.constant 0 : i32
    %dma_start3A_73 = tpu.memref_slice %arg6[%rem3A_52, %dma_start3A_71, %dma_start3A_72] : memref<2x512x64xf32, #tpu.memory_space<vmem>> -> memref<1x512x64xf32, #tpu.memory_space<vmem>>
    %dma_start3A_74 = tpu.memref_squeeze %dma_start3A_73 : memref<1x512x64xf32, #tpu.memory_space<vmem>> -> memref<512x64xf32, #tpu.memory_space<vmem>>
    %dma_start3A_75 = arith.constant 128 : i32
    %dma_start3A_76 = arith.constant 0 : i32
    %dma_start3A_77 = tpu.memref_slice %dma_start3A_74[%dma_start3A_75, %dma_start3A_76] : memref<512x64xf32, #tpu.memory_space<vmem>> -> memref<128x64xf32, #tpu.memory_space<vmem>>
    %dma_start3A_78 = tpu.memref_slice %arg5[%add3A_70] : memref<1024xi32, #tpu.memory_space<vmem>> -> memref<128xi32, #tpu.memory_space<vmem>>
    %dma_start3A_79 = arith.constant 0 : i32
    %dma_start3A_80 = arith.constant 0 : i32
    %dma_start3A_81 = tpu.memref_slice %arg2[%dma_start3A_79, %dma_start3A_80] : memref<114688x64xf32, #tpu.memory_space<hbm>> -> memref<114688x64xf32, #tpu.memory_space<hbm>>
    tpu.enqueue_indirect_dma source(%dma_start3A_81 : memref<114688x64xf32, #tpu.memory_space<hbm>>) target(%dma_start3A_77 : memref<128x64xf32, #tpu.memory_space<vmem>>) offsets(%dma_start3A_78 : memref<128xi32, #tpu.memory_space<vmem>>) semaphore(%arg7 : memref<!tpu.dma_semaphore, #tpu.memory_space<semaphore_mem>>)
    %mul3A_82 = arith.constant 512 : i32
    %mul3A_83 = arith.muli %mul3A_82, %rem3A_52 : i32
    %add3A_84 = arith.constant 256 : i32
    %add3A_85 = arith.addi %mul3A_83, %add3A_84 : i32
    %dma_start3A_86 = arith.constant 0 : i32
    %dma_start3A_87 = arith.constant 0 : i32
    %dma_start3A_88 = tpu.memref_slice %arg6[%rem3A_52, %dma_start3A_86, %dma_start3A_87] : memref<2x512x64xf32, #tpu.memory_space<vmem>> -> memref<1x512x64xf32, #tpu.memory_space<vmem>>
    %dma_start3A_89 = tpu.memref_squeeze %dma_start3A_88 : memref<1x512x64xf32, #tpu.memory_space<vmem>> -> memref<512x64xf32, #tpu.memory_space<vmem>>
    %dma_start3A_90 = arith.constant 256 : i32
    %dma_start3A_91 = arith.constant 0 : i32
    %dma_start3A_92 = tpu.memref_slice %dma_start3A_89[%dma_start3A_90, %dma_start3A_91] : memref<512x64xf32, #tpu.memory_space<vmem>> -> memref<128x64xf32, #tpu.memory_space<vmem>>
    %dma_start3A_93 = tpu.memref_slice %arg5[%add3A_85] : memref<1024xi32, #tpu.memory_space<vmem>> -> memref<128xi32, #tpu.memory_space<vmem>>
    %dma_start3A_94 = arith.constant 0 : i32
    %dma_start3A_95 = arith.constant 0 : i32
    %dma_start3A_96 = tpu.memref_slice %arg2[%dma_start3A_94, %dma_start3A_95] : memref<114688x64xf32, #tpu.memory_space<hbm>> -> memref<114688x64xf32, #tpu.memory_space<hbm>>
    tpu.enqueue_indirect_dma source(%dma_start3A_96 : memref<114688x64xf32, #tpu.memory_space<hbm>>) target(%dma_start3A_92 : memref<128x64xf32, #tpu.memory_space<vmem>>) offsets(%dma_start3A_93 : memref<128xi32, #tpu.memory_space<vmem>>) semaphore(%arg7 : memref<!tpu.dma_semaphore, #tpu.memory_space<semaphore_mem>>)
    %mul3A_97 = arith.constant 512 : i32
    %mul3A_98 = arith.muli %mul3A_97, %rem3A_52 : i32
    %add3A_99 = arith.constant 384 : i32
    %add3A_100 = arith.addi %mul3A_98, %add3A_99 : i32
    %dma_start3A_101 = arith.constant 0 : i32
    %dma_start3A_102 = arith.constant 0 : i32
    %dma_start3A_103 = tpu.memref_slice %arg6[%rem3A_52, %dma_start3A_101, %dma_start3A_102] : memref<2x512x64xf32, #tpu.memory_space<vmem>> -> memref<1x512x64xf32, #tpu.memory_space<vmem>>
    %dma_start3A_104 = tpu.memref_squeeze %dma_start3A_103 : memref<1x512x64xf32, #tpu.memory_space<vmem>> -> memref<512x64xf32, #tpu.memory_space<vmem>>
    %dma_start3A_105 = arith.constant 384 : i32
    %dma_start3A_106 = arith.constant 0 : i32
    %dma_start3A_107 = tpu.memref_slice %dma_start3A_104[%dma_start3A_105, %dma_start3A_106] : memref<512x64xf32, #tpu.memory_space<vmem>> -> memref<128x64xf32, #tpu.memory_space<vmem>>
    %dma_start3A_108 = tpu.memref_slice %arg5[%add3A_100] : memref<1024xi32, #tpu.memory_space<vmem>> -> memref<128xi32, #tpu.memory_space<vmem>>
    %dma_start3A_109 = arith.constant 0 : i32
    %dma_start3A_110 = arith.constant 0 : i32
    %dma_start3A_111 = tpu.memref_slice %arg2[%dma_start3A_109, %dma_start3A_110] : memref<114688x64xf32, #tpu.memory_space<hbm>> -> memref<114688x64xf32, #tpu.memory_space<hbm>>
    tpu.enqueue_indirect_dma source(%dma_start3A_111 : memref<114688x64xf32, #tpu.memory_space<hbm>>) target(%dma_start3A_107 : memref<128x64xf32, #tpu.memory_space<vmem>>) offsets(%dma_start3A_108 : memref<128xi32, #tpu.memory_space<vmem>>) semaphore(%arg7 : memref<!tpu.dma_semaphore, #tpu.memory_space<semaphore_mem>>)
    %add3A_112 = arith.constant 32 : i32
    %add3A_113 = arith.addi %add3A, %add3A_112 : i32
    %min3A_114 = arith.constant 399 : i32
    %min3A_115 = arith.minsi %add3A_113, %min3A_114 : i32
    %rem3A_116 = arith.constant 1 : i32
    %rem3A_117 = arith.constant 2 : i32
    %rem3A_118 = arith.remsi %rem3A_116, %rem3A_117 : i32
    %jit3A_119 = arith.constant 4 : i32
    %div3A_120 = arith.divsi %min3A_115, %jit3A_119 : i32
    %sign3A_121 = arith.constant 0 : i32
    %sign3A_122 = arith.cmpi sgt, %min3A_115, %sign3A_121 : i32
    %sign3A_123 = arith.extui %sign3A_122 : i1 to i32
    %sign3A_124 = arith.constant 0 : i32
    %sign3A_125 = arith.cmpi slt, %min3A_115, %sign3A_124 : i32
    %sign3A_126 = arith.extui %sign3A_125 : i1 to i32
    %sign3A_127 = arith.subi %sign3A_123, %sign3A_126 : i32
    %sign3A_128 = arith.constant 0 : i32
    %sign3A_129 = arith.cmpi sgt, %jit3A_119, %sign3A_128 : i32
    %sign3A_130 = arith.extui %sign3A_129 : i1 to i32
    %sign3A_131 = arith.constant 0 : i32
    %sign3A_132 = arith.cmpi slt, %jit3A_119, %sign3A_131 : i32
    %sign3A_133 = arith.extui %sign3A_132 : i1 to i32
    %sign3A_134 = arith.subi %sign3A_130, %sign3A_133 : i32
    %ne3A_135 = arith.cmpi ne, %sign3A_127, %sign3A_134 : i32
    %rem3A_136 = arith.remsi %min3A_115, %jit3A_119 : i32
    %ne3A_137 = arith.constant 0 : i32
    %ne3A_138 = arith.cmpi ne, %rem3A_136, %ne3A_137 : i32
    %and3A_139 = arith.andi %ne3A_135, %ne3A_138 : i1
    %sub3A_140 = arith.constant 1 : i32
    %sub3A_141 = arith.subi %div3A_120, %sub3A_140 : i32
    %select_n3A_142 = arith.select %and3A_139, %sub3A_141, %div3A_120 : i32
    %mul3A_143 = arith.constant 2048 : i32
    %mul3A_144 = arith.muli %mul3A_143, %select_n3A_142 : i32
    %jit3A_145 = arith.constant 4 : i32
    %eq3A_146 = arith.constant 0 : i32
    %eq3A_147 = arith.cmpi eq, %jit3A_145, %eq3A_146 : i32
    %jit3A_148 = arith.constant 1 : i32
    %select_n3A_149 = arith.select %eq3A_147, %jit3A_148, %jit3A_145 : i32
    %rem3A_150 = arith.remsi %min3A_115, %select_n3A_149 : i32
    %ne3A_151 = arith.constant 0 : i32
    %ne3A_152 = arith.cmpi ne, %rem3A_150, %ne3A_151 : i32
    %lt3A_153 = arith.constant 0 : i32
    %lt3A_154 = arith.cmpi slt, %rem3A_150, %lt3A_153 : i32
    %lt3A_155 = arith.constant 0 : i32
    %lt3A_156 = arith.cmpi slt, %select_n3A_149, %lt3A_155 : i32
    %ne3A_157 = arith.xori %lt3A_154, %lt3A_156 : i1
    %and3A_158 = arith.andi %ne3A_157, %ne3A_152 : i1
    %add3A_159 = arith.addi %rem3A_150, %select_n3A_149 : i32
    %select_n3A_160 = arith.select %and3A_158, %add3A_159, %rem3A_150 : i32
    %mul3A_161 = arith.constant 256 : i32
    %mul3A_162 = arith.muli %mul3A_161, %select_n3A_160 : i32
    %add3A_163 = arith.addi %mul3A_144, %mul3A_162 : i32
    %mul3A_164 = arith.constant 512 : i32
    %mul3A_165 = arith.muli %mul3A_164, %rem3A_118 : i32
    "tpu.region"() ({
      %run_scoped3A = tpu.sem_alloc : memref<!tpu.dma_semaphore, #tpu.memory_space<semaphore_mem>>
      %dma_start3A_539 = tpu.memref_slice %arg5[%mul3A_165] : memref<1024xi32, #tpu.memory_space<vmem>> -> memref<256xi32, #tpu.memory_space<vmem>>
      %dma_start3A_540 = tpu.memref_slice %arg3[%add3A_163] : memref<204800xi32, #tpu.memory_space<hbm>> -> memref<256xi32, #tpu.memory_space<hbm>>
      %dma_start3A_541 = tpu.memref_slice %arg5[%mul3A_165] : memref<1024xi32, #tpu.memory_space<vmem>> -> memref<256xi32, #tpu.memory_space<vmem>>
      %dma_start3A_542 = tpu.memref_slice %arg3[%add3A_163] : memref<204800xi32, #tpu.memory_space<hbm>> -> memref<256xi32, #tpu.memory_space<hbm>>
      tpu.enqueue_dma source(%dma_start3A_542 : memref<256xi32, #tpu.memory_space<hbm>>) target(%dma_start3A_541 : memref<256xi32, #tpu.memory_space<vmem>>) target_semaphore(%run_scoped3A : memref<!tpu.dma_semaphore, #tpu.memory_space<semaphore_mem>>)
      %dma_wait3A_543 = tpu.memref_slice %arg5[%mul3A_165] : memref<1024xi32, #tpu.memory_space<vmem>> -> memref<256xi32, #tpu.memory_space<vmem>>
      %dma_wait3A_544 = tpu.memref_slice %arg3[%add3A_163] : memref<204800xi32, #tpu.memory_space<hbm>> -> memref<256xi32, #tpu.memory_space<hbm>>
      %dma_wait3A_545 = tpu.memref_slice %arg5[%mul3A_165] : memref<1024xi32, #tpu.memory_space<vmem>> -> memref<256xi32, #tpu.memory_space<vmem>>
      %dma_wait3A_546 = tpu.memref_slice %arg3[%add3A_163] : memref<204800xi32, #tpu.memory_space<hbm>> -> memref<256xi32, #tpu.memory_space<hbm>>
      tpu.wait_dma2 semaphore(%run_scoped3A : memref<!tpu.dma_semaphore, #tpu.memory_space<semaphore_mem>>) src(%dma_wait3A_546 : memref<256xi32, #tpu.memory_space<hbm>>) dst(%dma_wait3A_545 : memref<256xi32, #tpu.memory_space<vmem>>)
      tpu.yield
    }) : () -> ()
    %add3A_166 = arith.constant 1024 : i32
    %add3A_167 = arith.addi %add3A_163, %add3A_166 : i32
    %mul3A_168 = arith.constant 512 : i32
    %mul3A_169 = arith.muli %mul3A_168, %rem3A_118 : i32
    %add3A_170 = arith.constant 256 : i32
    %add3A_171 = arith.addi %mul3A_169, %add3A_170 : i32
    "tpu.region"() ({
      %run_scoped3A = tpu.sem_alloc : memref<!tpu.dma_semaphore, #tpu.memory_space<semaphore_mem>>
      %dma_start3A_539 = tpu.memref_slice %arg5[%add3A_171] : memref<1024xi32, #tpu.memory_space<vmem>> -> memref<256xi32, #tpu.memory_space<vmem>>
      %dma_start3A_540 = tpu.memref_slice %arg3[%add3A_167] : memref<204800xi32, #tpu.memory_space<hbm>> -> memref<256xi32, #tpu.memory_space<hbm>>
      %dma_start3A_541 = tpu.memref_slice %arg5[%add3A_171] : memref<1024xi32, #tpu.memory_space<vmem>> -> memref<256xi32, #tpu.memory_space<vmem>>
      %dma_start3A_542 = tpu.memref_slice %arg3[%add3A_167] : memref<204800xi32, #tpu.memory_space<hbm>> -> memref<256xi32, #tpu.memory_space<hbm>>
      tpu.enqueue_dma source(%dma_start3A_542 : memref<256xi32, #tpu.memory_space<hbm>>) target(%dma_start3A_541 : memref<256xi32, #tpu.memory_space<vmem>>) target_semaphore(%run_scoped3A : memref<!tpu.dma_semaphore, #tpu.memory_space<semaphore_mem>>)
      %dma_wait3A_543 = tpu.memref_slice %arg5[%add3A_171] : memref<1024xi32, #tpu.memory_space<vmem>> -> memref<256xi32, #tpu.memory_space<vmem>>
      %dma_wait3A_544 = tpu.memref_slice %arg3[%add3A_167] : memref<204800xi32, #tpu.memory_space<hbm>> -> memref<256xi32, #tpu.memory_space<hbm>>
      %dma_wait3A_545 = tpu.memref_slice %arg5[%add3A_171] : memref<1024xi32, #tpu.memory_space<vmem>> -> memref<256xi32, #tpu.memory_space<vmem>>
      %dma_wait3A_546 = tpu.memref_slice %arg3[%add3A_167] : memref<204800xi32, #tpu.memory_space<hbm>> -> memref<256xi32, #tpu.memory_space<hbm>>
      tpu.wait_dma2 semaphore(%run_scoped3A : memref<!tpu.dma_semaphore, #tpu.memory_space<semaphore_mem>>) src(%dma_wait3A_546 : memref<256xi32, #tpu.memory_space<hbm>>) dst(%dma_wait3A_545 : memref<256xi32, #tpu.memory_space<vmem>>)
      tpu.yield
    }) : () -> ()
    %dma_wait3A = arith.constant 0 : i32
    %dma_wait3A_172 = arith.constant 0 : i32
    %dma_wait3A_173 = tpu.memref_slice %arg6[%rem3A_52, %dma_wait3A, %dma_wait3A_172] : memref<2x512x64xf32, #tpu.memory_space<vmem>> -> memref<1x512x64xf32, #tpu.memory_space<vmem>>
    %dma_wait3A_174 = tpu.memref_squeeze %dma_wait3A_173 : memref<1x512x64xf32, #tpu.memory_space<vmem>> -> memref<512x64xf32, #tpu.memory_space<vmem>>
    %dma_wait3A_175 = arith.constant 0 : i32
    %dma_wait3A_176 = arith.constant 0 : i32
    %dma_wait3A_177 = tpu.memref_slice %dma_wait3A_174[%dma_wait3A_175, %dma_wait3A_176] : memref<512x64xf32, #tpu.memory_space<vmem>> -> memref<128x64xf32, #tpu.memory_space<vmem>>
    %dma_wait3A_178 = tpu.memref_slice %arg5[%add3A_56] : memref<1024xi32, #tpu.memory_space<vmem>> -> memref<128xi32, #tpu.memory_space<vmem>>
    %dma_wait3A_179 = arith.constant 0 : i32
    %dma_wait3A_180 = arith.constant 0 : i32
    %dma_wait3A_181 = tpu.memref_slice %arg2[%dma_wait3A_179, %dma_wait3A_180] : memref<114688x64xf32, #tpu.memory_space<hbm>> -> memref<114688x64xf32, #tpu.memory_space<hbm>>
    tpu.wait_indirect_dma semaphore(%arg7 : memref<!tpu.dma_semaphore, #tpu.memory_space<semaphore_mem>>) src(%dma_wait3A_181 : memref<114688x64xf32, #tpu.memory_space<hbm>>) dst(%dma_wait3A_177 : memref<128x64xf32, #tpu.memory_space<vmem>>)
    %dma_wait3A_182 = arith.constant 0 : i32
    %dma_wait3A_183 = arith.constant 0 : i32
    %dma_wait3A_184 = tpu.memref_slice %arg6[%rem3A_52, %dma_wait3A_182, %dma_wait3A_183] : memref<2x512x64xf32, #tpu.memory_space<vmem>> -> memref<1x512x64xf32, #tpu.memory_space<vmem>>
    %dma_wait3A_185 = tpu.memref_squeeze %dma_wait3A_184 : memref<1x512x64xf32, #tpu.memory_space<vmem>> -> memref<512x64xf32, #tpu.memory_space<vmem>>
    %dma_wait3A_186 = arith.constant 128 : i32
    %dma_wait3A_187 = arith.constant 0 : i32
    %dma_wait3A_188 = tpu.memref_slice %dma_wait3A_185[%dma_wait3A_186, %dma_wait3A_187] : memref<512x64xf32, #tpu.memory_space<vmem>> -> memref<128x64xf32, #tpu.memory_space<vmem>>
    %dma_wait3A_189 = tpu.memref_slice %arg5[%add3A_70] : memref<1024xi32, #tpu.memory_space<vmem>> -> memref<128xi32, #tpu.memory_space<vmem>>
    %dma_wait3A_190 = arith.constant 0 : i32
    %dma_wait3A_191 = arith.constant 0 : i32
    %dma_wait3A_192 = tpu.memref_slice %arg2[%dma_wait3A_190, %dma_wait3A_191] : memref<114688x64xf32, #tpu.memory_space<hbm>> -> memref<114688x64xf32, #tpu.memory_space<hbm>>
    tpu.wait_indirect_dma semaphore(%arg7 : memref<!tpu.dma_semaphore, #tpu.memory_space<semaphore_mem>>) src(%dma_wait3A_192 : memref<114688x64xf32, #tpu.memory_space<hbm>>) dst(%dma_wait3A_188 : memref<128x64xf32, #tpu.memory_space<vmem>>)
    %dma_wait3A_193 = arith.constant 0 : i32
    %dma_wait3A_194 = arith.constant 0 : i32
    %dma_wait3A_195 = tpu.memref_slice %arg6[%rem3A_52, %dma_wait3A_193, %dma_wait3A_194] : memref<2x512x64xf32, #tpu.memory_space<vmem>> -> memref<1x512x64xf32, #tpu.memory_space<vmem>>
    %dma_wait3A_196 = tpu.memref_squeeze %dma_wait3A_195 : memref<1x512x64xf32, #tpu.memory_space<vmem>> -> memref<512x64xf32, #tpu.memory_space<vmem>>
    %dma_wait3A_197 = arith.constant 256 : i32
    %dma_wait3A_198 = arith.constant 0 : i32
    %dma_wait3A_199 = tpu.memref_slice %dma_wait3A_196[%dma_wait3A_197, %dma_wait3A_198] : memref<512x64xf32, #tpu.memory_space<vmem>> -> memref<128x64xf32, #tpu.memory_space<vmem>>
    %dma_wait3A_200 = tpu.memref_slice %arg5[%add3A_85] : memref<1024xi32, #tpu.memory_space<vmem>> -> memref<128xi32, #tpu.memory_space<vmem>>
    %dma_wait3A_201 = arith.constant 0 : i32
    %dma_wait3A_202 = arith.constant 0 : i32
    %dma_wait3A_203 = tpu.memref_slice %arg2[%dma_wait3A_201, %dma_wait3A_202] : memref<114688x64xf32, #tpu.memory_space<hbm>> -> memref<114688x64xf32, #tpu.memory_space<hbm>>
    tpu.wait_indirect_dma semaphore(%arg7 : memref<!tpu.dma_semaphore, #tpu.memory_space<semaphore_mem>>) src(%dma_wait3A_203 : memref<114688x64xf32, #tpu.memory_space<hbm>>) dst(%dma_wait3A_199 : memref<128x64xf32, #tpu.memory_space<vmem>>)
    %dma_wait3A_204 = arith.constant 0 : i32
    %dma_wait3A_205 = arith.constant 0 : i32
    %dma_wait3A_206 = tpu.memref_slice %arg6[%rem3A_52, %dma_wait3A_204, %dma_wait3A_205] : memref<2x512x64xf32, #tpu.memory_space<vmem>> -> memref<1x512x64xf32, #tpu.memory_space<vmem>>
    %dma_wait3A_207 = tpu.memref_squeeze %dma_wait3A_206 : memref<1x512x64xf32, #tpu.memory_space<vmem>> -> memref<512x64xf32, #tpu.memory_space<vmem>>
    %dma_wait3A_208 = arith.constant 384 : i32
    %dma_wait3A_209 = arith.constant 0 : i32
    %dma_wait3A_210 = tpu.memref_slice %dma_wait3A_207[%dma_wait3A_208, %dma_wait3A_209] : memref<512x64xf32, #tpu.memory_space<vmem>> -> memref<128x64xf32, #tpu.memory_space<vmem>>
    %dma_wait3A_211 = tpu.memref_slice %arg5[%add3A_100] : memref<1024xi32, #tpu.memory_space<vmem>> -> memref<128xi32, #tpu.memory_space<vmem>>
    %dma_wait3A_212 = arith.constant 0 : i32
    %dma_wait3A_213 = arith.constant 0 : i32
    %dma_wait3A_214 = tpu.memref_slice %arg2[%dma_wait3A_212, %dma_wait3A_213] : memref<114688x64xf32, #tpu.memory_space<hbm>> -> memref<114688x64xf32, #tpu.memory_space<hbm>>
    tpu.wait_indirect_dma semaphore(%arg7 : memref<!tpu.dma_semaphore, #tpu.memory_space<semaphore_mem>>) src(%dma_wait3A_214 : memref<114688x64xf32, #tpu.memory_space<hbm>>) dst(%dma_wait3A_210 : memref<128x64xf32, #tpu.memory_space<vmem>>)
    %rem3A_215 = arith.constant 0 : i32
    %rem3A_216 = arith.constant 2 : i32
    %rem3A_217 = arith.remsi %rem3A_215, %rem3A_216 : i32
    %add3A_218 = arith.constant 0 : i32
    %add3A_219 = arith.addi %add3A, %add3A_218 : i32
    %min3A_220 = arith.constant 399 : i32
    %min3A_221 = arith.minsi %add3A_219, %min3A_220 : i32
    %dma_start3A_222 = arith.constant 0 : i32
    %dma_start3A_223 = arith.constant 0 : i32
    %dma_start3A_224 = tpu.memref_slice %arg6[%rem3A_217, %dma_start3A_222, %dma_start3A_223] : memref<2x512x64xf32, #tpu.memory_space<vmem>> -> memref<1x512x64xf32, #tpu.memory_space<vmem>>
    %dma_start3A_225 = tpu.memref_squeeze %dma_start3A_224 : memref<1x512x64xf32, #tpu.memory_space<vmem>> -> memref<512x64xf32, #tpu.memory_space<vmem>>
    %dma_start3A_226 = arith.constant 0 : i32
    %dma_start3A_227 = arith.constant 0 : i32
    %dma_start3A_228 = tpu.memref_slice %dma_start3A_225[%dma_start3A_226, %dma_start3A_227] : memref<512x64xf32, #tpu.memory_space<vmem>> -> memref<256x64xf32, #tpu.memory_space<vmem>>
    %dma_start3A_229 = arith.constant 0 : i32
    %dma_start3A_230 = arith.constant 0 : i32
    %dma_start3A_231 = tpu.memref_slice %arg4[%min3A_221, %dma_start3A_229, %dma_start3A_230] : memref<400x256x128xf32, #tpu.memory_space<hbm>> -> memref<1x256x128xf32, #tpu.memory_space<hbm>>
    %dma_start3A_232 = tpu.memref_squeeze %dma_start3A_231 : memref<1x256x128xf32, #tpu.memory_space<hbm>> -> memref<256x128xf32, #tpu.memory_space<hbm>>
    %dma_start3A_233 = arith.constant 0 : i32
    %dma_start3A_234 = arith.constant 0 : i32
    %dma_start3A_235 = tpu.memref_slice %dma_start3A_232[%dma_start3A_233, %dma_start3A_234] : memref<256x128xf32, #tpu.memory_space<hbm>> -> memref<256x64xf32, #tpu.memory_space<hbm>>
    %dma_start3A_236 = arith.constant 0 : i32
    %dma_start3A_237 = arith.constant 0 : i32
    %dma_start3A_238 = tpu.memref_slice %arg4[%min3A_221, %dma_start3A_236, %dma_start3A_237] : memref<400x256x128xf32, #tpu.memory_space<hbm>> -> memref<1x256x128xf32, #tpu.memory_space<hbm>>
    %dma_start3A_239 = tpu.memref_squeeze %dma_start3A_238 : memref<1x256x128xf32, #tpu.memory_space<hbm>> -> memref<256x128xf32, #tpu.memory_space<hbm>>
    %dma_start3A_240 = arith.constant 0 : i32
    %dma_start3A_241 = arith.constant 0 : i32
    %dma_start3A_242 = tpu.memref_slice %dma_start3A_239[%dma_start3A_240, %dma_start3A_241] : memref<256x128xf32, #tpu.memory_space<hbm>> -> memref<256x64xf32, #tpu.memory_space<hbm>>
    %dma_start3A_243 = arith.constant 0 : i32
    %dma_start3A_244 = arith.constant 0 : i32
    %dma_start3A_245 = tpu.memref_slice %arg6[%rem3A_217, %dma_start3A_243, %dma_start3A_244] : memref<2x512x64xf32, #tpu.memory_space<vmem>> -> memref<1x512x64xf32, #tpu.memory_space<vmem>>
    %dma_start3A_246 = tpu.memref_squeeze %dma_start3A_245 : memref<1x512x64xf32, #tpu.memory_space<vmem>> -> memref<512x64xf32, #tpu.memory_space<vmem>>
    %dma_start3A_247 = arith.constant 0 : i32
    %dma_start3A_248 = arith.constant 0 : i32
    %dma_start3A_249 = tpu.memref_slice %dma_start3A_246[%dma_start3A_247, %dma_start3A_248] : memref<512x64xf32, #tpu.memory_space<vmem>> -> memref<256x64xf32, #tpu.memory_space<vmem>>
    tpu.enqueue_dma source(%dma_start3A_249 : memref<256x64xf32, #tpu.memory_space<vmem>>) target(%dma_start3A_242 : memref<256x64xf32, #tpu.memory_space<hbm>>) target_semaphore(%arg8 : memref<!tpu.dma_semaphore, #tpu.memory_space<semaphore_mem>>)
    %dma_start3A_250 = arith.constant 0 : i32
    %dma_start3A_251 = arith.constant 0 : i32
    %dma_start3A_252 = tpu.memref_slice %arg6[%rem3A_217, %dma_start3A_250, %dma_start3A_251] : memref<2x512x64xf32, #tpu.memory_space<vmem>> -> memref<1x512x64xf32, #tpu.memory_space<vmem>>
    %dma_start3A_253 = tpu.memref_squeeze %dma_start3A_252 : memref<1x512x64xf32, #tpu.memory_space<vmem>> -> memref<512x64xf32, #tpu.memory_space<vmem>>
    %dma_start3A_254 = arith.constant 256 : i32
    %dma_start3A_255 = arith.constant 0 : i32
    %dma_start3A_256 = tpu.memref_slice %dma_start3A_253[%dma_start3A_254, %dma_start3A_255] : memref<512x64xf32, #tpu.memory_space<vmem>> -> memref<256x64xf32, #tpu.memory_space<vmem>>
    %dma_start3A_257 = arith.constant 0 : i32
    %dma_start3A_258 = arith.constant 0 : i32
    %dma_start3A_259 = tpu.memref_slice %arg4[%min3A_221, %dma_start3A_257, %dma_start3A_258] : memref<400x256x128xf32, #tpu.memory_space<hbm>> -> memref<1x256x128xf32, #tpu.memory_space<hbm>>
    %dma_start3A_260 = tpu.memref_squeeze %dma_start3A_259 : memref<1x256x128xf32, #tpu.memory_space<hbm>> -> memref<256x128xf32, #tpu.memory_space<hbm>>
    %dma_start3A_261 = arith.constant 0 : i32
    %dma_start3A_262 = arith.constant 64 : i32
    %dma_start3A_263 = tpu.memref_slice %dma_start3A_260[%dma_start3A_261, %dma_start3A_262] : memref<256x128xf32, #tpu.memory_space<hbm>> -> memref<256x64xf32, #tpu.memory_space<hbm>>
    %dma_start3A_264 = arith.constant 0 : i32
    %dma_start3A_265 = arith.constant 0 : i32
    %dma_start3A_266 = tpu.memref_slice %arg4[%min3A_221, %dma_start3A_264, %dma_start3A_265] : memref<400x256x128xf32, #tpu.memory_space<hbm>> -> memref<1x256x128xf32, #tpu.memory_space<hbm>>
    %dma_start3A_267 = tpu.memref_squeeze %dma_start3A_266 : memref<1x256x128xf32, #tpu.memory_space<hbm>> -> memref<256x128xf32, #tpu.memory_space<hbm>>
    %dma_start3A_268 = arith.constant 0 : i32
    %dma_start3A_269 = arith.constant 64 : i32
    %dma_start3A_270 = tpu.memref_slice %dma_start3A_267[%dma_start3A_268, %dma_start3A_269] : memref<256x128xf32, #tpu.memory_space<hbm>> -> memref<256x64xf32, #tpu.memory_space<hbm>>
    %dma_start3A_271 = arith.constant 0 : i32
    %dma_start3A_272 = arith.constant 0 : i32
    %dma_start3A_273 = tpu.memref_slice %arg6[%rem3A_217, %dma_start3A_271, %dma_start3A_272] : memref<2x512x64xf32, #tpu.memory_space<vmem>> -> memref<1x512x64xf32, #tpu.memory_space<vmem>>
    %dma_start3A_274 = tpu.memref_squeeze %dma_start3A_273 : memref<1x512x64xf32, #tpu.memory_space<vmem>> -> memref<512x64xf32, #tpu.memory_space<vmem>>
    %dma_start3A_275 = arith.constant 256 : i32
    %dma_start3A_276 = arith.constant 0 : i32
    %dma_start3A_277 = tpu.memref_slice %dma_start3A_274[%dma_start3A_275, %dma_start3A_276] : memref<512x64xf32, #tpu.memory_space<vmem>> -> memref<256x64xf32, #tpu.memory_space<vmem>>
    tpu.enqueue_dma source(%dma_start3A_277 : memref<256x64xf32, #tpu.memory_space<vmem>>) target(%dma_start3A_270 : memref<256x64xf32, #tpu.memory_space<hbm>>) target_semaphore(%arg8 : memref<!tpu.dma_semaphore, #tpu.memory_space<semaphore_mem>>)
    %scan3A = arith.constant 0 : i32
    %scan3A_278 = arith.constant 1 : i32
    %scan3A_279 = arith.constant 11 : i32
    %scan3A_280 = arith.addi %scan3A_278, %scan3A_279 : i32
    %scan3A_281 = arith.constant 1 : i32
    scf.for %scan3A_539 = %scan3A_278 to %scan3A_280 step %scan3A_281  : i32 {
      %rem3A_540 = arith.constant 2 : i32
      %rem3A_541 = arith.remsi %scan3A_539, %rem3A_540 : i32
      %mul3A_542 = arith.constant 512 : i32
      %mul3A_543 = arith.muli %mul3A_542, %rem3A_541 : i32
      %add3A_544 = arith.constant 0 : i32
      %add3A_545 = arith.addi %mul3A_543, %add3A_544 : i32
      %dma_start3A_546 = arith.constant 0 : i32
      %dma_start3A_547 = arith.constant 0 : i32
      %dma_start3A_548 = tpu.memref_slice %arg6[%rem3A_541, %dma_start3A_546, %dma_start3A_547] : memref<2x512x64xf32, #tpu.memory_space<vmem>> -> memref<1x512x64xf32, #tpu.memory_space<vmem>>
      %dma_start3A_549 = tpu.memref_squeeze %dma_start3A_548 : memref<1x512x64xf32, #tpu.memory_space<vmem>> -> memref<512x64xf32, #tpu.memory_space<vmem>>
      %dma_start3A_550 = arith.constant 0 : i32
      %dma_start3A_551 = arith.constant 0 : i32
      %dma_start3A_552 = tpu.memref_slice %dma_start3A_549[%dma_start3A_550, %dma_start3A_551] : memref<512x64xf32, #tpu.memory_space<vmem>> -> memref<128x64xf32, #tpu.memory_space<vmem>>
      %dma_start3A_553 = tpu.memref_slice %arg5[%add3A_545] : memref<1024xi32, #tpu.memory_space<vmem>> -> memref<128xi32, #tpu.memory_space<vmem>>
      %dma_start3A_554 = arith.constant 0 : i32
      %dma_start3A_555 = arith.constant 0 : i32
      %dma_start3A_556 = tpu.memref_slice %arg2[%dma_start3A_554, %dma_start3A_555] : memref<114688x64xf32, #tpu.memory_space<hbm>> -> memref<114688x64xf32, #tpu.memory_space<hbm>>
      tpu.enqueue_indirect_dma source(%dma_start3A_556 : memref<114688x64xf32, #tpu.memory_space<hbm>>) target(%dma_start3A_552 : memref<128x64xf32, #tpu.memory_space<vmem>>) offsets(%dma_start3A_553 : memref<128xi32, #tpu.memory_space<vmem>>) semaphore(%arg7 : memref<!tpu.dma_semaphore, #tpu.memory_space<semaphore_mem>>)
      %mul3A_557 = arith.constant 512 : i32
      %mul3A_558 = arith.muli %mul3A_557, %rem3A_541 : i32
      %add3A_559 = arith.constant 128 : i32
      %add3A_560 = arith.addi %mul3A_558, %add3A_559 : i32
      %dma_start3A_561 = arith.constant 0 : i32
      %dma_start3A_562 = arith.constant 0 : i32
      %dma_start3A_563 = tpu.memref_slice %arg6[%rem3A_541, %dma_start3A_561, %dma_start3A_562] : memref<2x512x64xf32, #tpu.memory_space<vmem>> -> memref<1x512x64xf32, #tpu.memory_space<vmem>>
      %dma_start3A_564 = tpu.memref_squeeze %dma_start3A_563 : memref<1x512x64xf32, #tpu.memory_space<vmem>> -> memref<512x64xf32, #tpu.memory_space<vmem>>
      %dma_start3A_565 = arith.constant 128 : i32
      %dma_start3A_566 = arith.constant 0 : i32
      %dma_start3A_567 = tpu.memref_slice %dma_start3A_564[%dma_start3A_565, %dma_start3A_566] : memref<512x64xf32, #tpu.memory_space<vmem>> -> memref<128x64xf32, #tpu.memory_space<vmem>>
      %dma_start3A_568 = tpu.memref_slice %arg5[%add3A_560] : memref<1024xi32, #tpu.memory_space<vmem>> -> memref<128xi32, #tpu.memory_space<vmem>>
      %dma_start3A_569 = arith.constant 0 : i32
      %dma_start3A_570 = arith.constant 0 : i32
      %dma_start3A_571 = tpu.memref_slice %arg2[%dma_start3A_569, %dma_start3A_570] : memref<114688x64xf32, #tpu.memory_space<hbm>> -> memref<114688x64xf32, #tpu.memory_space<hbm>>
      tpu.enqueue_indirect_dma source(%dma_start3A_571 : memref<114688x64xf32, #tpu.memory_space<hbm>>) target(%dma_start3A_567 : memref<128x64xf32, #tpu.memory_space<vmem>>) offsets(%dma_start3A_568 : memref<128xi32, #tpu.memory_space<vmem>>) semaphore(%arg7 : memref<!tpu.dma_semaphore, #tpu.memory_space<semaphore_mem>>)
      %mul3A_572 = arith.constant 512 : i32
      %mul3A_573 = arith.muli %mul3A_572, %rem3A_541 : i32
      %add3A_574 = arith.constant 256 : i32
      %add3A_575 = arith.addi %mul3A_573, %add3A_574 : i32
      %dma_start3A_576 = arith.constant 0 : i32
      %dma_start3A_577 = arith.constant 0 : i32
      %dma_start3A_578 = tpu.memref_slice %arg6[%rem3A_541, %dma_start3A_576, %dma_start3A_577] : memref<2x512x64xf32, #tpu.memory_space<vmem>> -> memref<1x512x64xf32, #tpu.memory_space<vmem>>
      %dma_start3A_579 = tpu.memref_squeeze %dma_start3A_578 : memref<1x512x64xf32, #tpu.memory_space<vmem>> -> memref<512x64xf32, #tpu.memory_space<vmem>>
      %dma_start3A_580 = arith.constant 256 : i32
      %dma_start3A_581 = arith.constant 0 : i32
      %dma_start3A_582 = tpu.memref_slice %dma_start3A_579[%dma_start3A_580, %dma_start3A_581] : memref<512x64xf32, #tpu.memory_space<vmem>> -> memref<128x64xf32, #tpu.memory_space<vmem>>
      %dma_start3A_583 = tpu.memref_slice %arg5[%add3A_575] : memref<1024xi32, #tpu.memory_space<vmem>> -> memref<128xi32, #tpu.memory_space<vmem>>
      %dma_start3A_584 = arith.constant 0 : i32
      %dma_start3A_585 = arith.constant 0 : i32
      %dma_start3A_586 = tpu.memref_slice %arg2[%dma_start3A_584, %dma_start3A_585] : memref<114688x64xf32, #tpu.memory_space<hbm>> -> memref<114688x64xf32, #tpu.memory_space<hbm>>
      tpu.enqueue_indirect_dma source(%dma_start3A_586 : memref<114688x64xf32, #tpu.memory_space<hbm>>) target(%dma_start3A_582 : memref<128x64xf32, #tpu.memory_space<vmem>>) offsets(%dma_start3A_583 : memref<128xi32, #tpu.memory_space<vmem>>) semaphore(%arg7 : memref<!tpu.dma_semaphore, #tpu.memory_space<semaphore_mem>>)
      %mul3A_587 = arith.constant 512 : i32
      %mul3A_588 = arith.muli %mul3A_587, %rem3A_541 : i32
      %add3A_589 = arith.constant 384 : i32
      %add3A_590 = arith.addi %mul3A_588, %add3A_589 : i32
      %dma_start3A_591 = arith.constant 0 : i32
      %dma_start3A_592 = arith.constant 0 : i32
      %dma_start3A_593 = tpu.memref_slice %arg6[%rem3A_541, %dma_start3A_591, %dma_start3A_592] : memref<2x512x64xf32, #tpu.memory_space<vmem>> -> memref<1x512x64xf32, #tpu.memory_space<vmem>>
      %dma_start3A_594 = tpu.memref_squeeze %dma_start3A_593 : memref<1x512x64xf32, #tpu.memory_space<vmem>> -> memref<512x64xf32, #tpu.memory_space<vmem>>
      %dma_start3A_595 = arith.constant 384 : i32
      %dma_start3A_596 = arith.constant 0 : i32
      %dma_start3A_597 = tpu.memref_slice %dma_start3A_594[%dma_start3A_595, %dma_start3A_596] : memref<512x64xf32, #tpu.memory_space<vmem>> -> memref<128x64xf32, #tpu.memory_space<vmem>>
      %dma_start3A_598 = tpu.memref_slice %arg5[%add3A_590] : memref<1024xi32, #tpu.memory_space<vmem>> -> memref<128xi32, #tpu.memory_space<vmem>>
      %dma_start3A_599 = arith.constant 0 : i32
      %dma_start3A_600 = arith.constant 0 : i32
      %dma_start3A_601 = tpu.memref_slice %arg2[%dma_start3A_599, %dma_start3A_600] : memref<114688x64xf32, #tpu.memory_space<hbm>> -> memref<114688x64xf32, #tpu.memory_space<hbm>>
      tpu.enqueue_indirect_dma source(%dma_start3A_601 : memref<114688x64xf32, #tpu.memory_space<hbm>>) target(%dma_start3A_597 : memref<128x64xf32, #tpu.memory_space<vmem>>) offsets(%dma_start3A_598 : memref<128xi32, #tpu.memory_space<vmem>>) semaphore(%arg7 : memref<!tpu.dma_semaphore, #tpu.memory_space<semaphore_mem>>)
      %add3A_602 = arith.constant 1 : i32
      %add3A_603 = arith.addi %scan3A_539, %add3A_602 : i32
      %mul3A_604 = arith.constant 32 : i32
      %mul3A_605 = arith.muli %mul3A_604, %add3A_603 : i32
      %add3A_606 = arith.addi %add3A, %mul3A_605 : i32
      %min3A_607 = arith.constant 399 : i32
      %min3A_608 = arith.minsi %add3A_606, %min3A_607 : i32
      %rem3A_609 = arith.constant 2 : i32
      %rem3A_610 = arith.remsi %add3A_603, %rem3A_609 : i32
      %jit3A_611 = arith.constant 4 : i32
      %div3A_612 = arith.divsi %min3A_608, %jit3A_611 : i32
      %sign3A_613 = arith.constant 0 : i32
      %sign3A_614 = arith.cmpi sgt, %min3A_608, %sign3A_613 : i32
      %sign3A_615 = arith.extui %sign3A_614 : i1 to i32
      %sign3A_616 = arith.constant 0 : i32
      %sign3A_617 = arith.cmpi slt, %min3A_608, %sign3A_616 : i32
      %sign3A_618 = arith.extui %sign3A_617 : i1 to i32
      %sign3A_619 = arith.subi %sign3A_615, %sign3A_618 : i32
      %sign3A_620 = arith.constant 0 : i32
      %sign3A_621 = arith.cmpi sgt, %jit3A_611, %sign3A_620 : i32
      %sign3A_622 = arith.extui %sign3A_621 : i1 to i32
      %sign3A_623 = arith.constant 0 : i32
      %sign3A_624 = arith.cmpi slt, %jit3A_611, %sign3A_623 : i32
      %sign3A_625 = arith.extui %sign3A_624 : i1 to i32
      %sign3A_626 = arith.subi %sign3A_622, %sign3A_625 : i32
      %ne3A_627 = arith.cmpi ne, %sign3A_619, %sign3A_626 : i32
      %rem3A_628 = arith.remsi %min3A_608, %jit3A_611 : i32
      %ne3A_629 = arith.constant 0 : i32
      %ne3A_630 = arith.cmpi ne, %rem3A_628, %ne3A_629 : i32
      %and3A_631 = arith.andi %ne3A_627, %ne3A_630 : i1
      %sub3A_632 = arith.constant 1 : i32
      %sub3A_633 = arith.subi %div3A_612, %sub3A_632 : i32
      %select_n3A_634 = arith.select %and3A_631, %sub3A_633, %div3A_612 : i32
      %mul3A_635 = arith.constant 2048 : i32
      %mul3A_636 = arith.muli %mul3A_635, %select_n3A_634 : i32
      %jit3A_637 = arith.constant 4 : i32
      %eq3A_638 = arith.constant 0 : i32
      %eq3A_639 = arith.cmpi eq, %jit3A_637, %eq3A_638 : i32
      %jit3A_640 = arith.constant 1 : i32
      %select_n3A_641 = arith.select %eq3A_639, %jit3A_640, %jit3A_637 : i32
      %rem3A_642 = arith.remsi %min3A_608, %select_n3A_641 : i32
      %ne3A_643 = arith.constant 0 : i32
      %ne3A_644 = arith.cmpi ne, %rem3A_642, %ne3A_643 : i32
      %lt3A_645 = arith.constant 0 : i32
      %lt3A_646 = arith.cmpi slt, %rem3A_642, %lt3A_645 : i32
      %lt3A_647 = arith.constant 0 : i32
      %lt3A_648 = arith.cmpi slt, %select_n3A_641, %lt3A_647 : i32
      %ne3A_649 = arith.xori %lt3A_646, %lt3A_648 : i1
      %and3A_650 = arith.andi %ne3A_649, %ne3A_644 : i1
      %add3A_651 = arith.addi %rem3A_642, %select_n3A_641 : i32
      %select_n3A_652 = arith.select %and3A_650, %add3A_651, %rem3A_642 : i32
      %mul3A_653 = arith.constant 256 : i32
      %mul3A_654 = arith.muli %mul3A_653, %select_n3A_652 : i32
      %add3A_655 = arith.addi %mul3A_636, %mul3A_654 : i32
      %mul3A_656 = arith.constant 512 : i32
      %mul3A_657 = arith.muli %mul3A_656, %rem3A_610 : i32
      "tpu.region"() ({
        %run_scoped3A = tpu.sem_alloc : memref<!tpu.dma_semaphore, #tpu.memory_space<semaphore_mem>>
        %dma_start3A_815 = tpu.memref_slice %arg5[%mul3A_657] : memref<1024xi32, #tpu.memory_space<vmem>> -> memref<256xi32, #tpu.memory_space<vmem>>
        %dma_start3A_816 = tpu.memref_slice %arg3[%add3A_655] : memref<204800xi32, #tpu.memory_space<hbm>> -> memref<256xi32, #tpu.memory_space<hbm>>
        %dma_start3A_817 = tpu.memref_slice %arg5[%mul3A_657] : memref<1024xi32, #tpu.memory_space<vmem>> -> memref<256xi32, #tpu.memory_space<vmem>>
        %dma_start3A_818 = tpu.memref_slice %arg3[%add3A_655] : memref<204800xi32, #tpu.memory_space<hbm>> -> memref<256xi32, #tpu.memory_space<hbm>>
        tpu.enqueue_dma source(%dma_start3A_818 : memref<256xi32, #tpu.memory_space<hbm>>) target(%dma_start3A_817 : memref<256xi32, #tpu.memory_space<vmem>>) target_semaphore(%run_scoped3A : memref<!tpu.dma_semaphore, #tpu.memory_space<semaphore_mem>>)
        %dma_wait3A_819 = tpu.memref_slice %arg5[%mul3A_657] : memref<1024xi32, #tpu.memory_space<vmem>> -> memref<256xi32, #tpu.memory_space<vmem>>
        %dma_wait3A_820 = tpu.memref_slice %arg3[%add3A_655] : memref<204800xi32, #tpu.memory_space<hbm>> -> memref<256xi32, #tpu.memory_space<hbm>>
        %dma_wait3A_821 = tpu.memref_slice %arg5[%mul3A_657] : memref<1024xi32, #tpu.memory_space<vmem>> -> memref<256xi32, #tpu.memory_space<vmem>>
        %dma_wait3A_822 = tpu.memref_slice %arg3[%add3A_655] : memref<204800xi32, #tpu.memory_space<hbm>> -> memref<256xi32, #tpu.memory_space<hbm>>
        tpu.wait_dma2 semaphore(%run_scoped3A : memref<!tpu.dma_semaphore, #tpu.memory_space<semaphore_mem>>) src(%dma_wait3A_822 : memref<256xi32, #tpu.memory_space<hbm>>) dst(%dma_wait3A_821 : memref<256xi32, #tpu.memory_space<vmem>>)
        tpu.yield
      }) : () -> ()
      %add3A_658 = arith.constant 1024 : i32
      %add3A_659 = arith.addi %add3A_655, %add3A_658 : i32
      %mul3A_660 = arith.constant 512 : i32
      %mul3A_661 = arith.muli %mul3A_660, %rem3A_610 : i32
      %add3A_662 = arith.constant 256 : i32
      %add3A_663 = arith.addi %mul3A_661, %add3A_662 : i32
      "tpu.region"() ({
        %run_scoped3A = tpu.sem_alloc : memref<!tpu.dma_semaphore, #tpu.memory_space<semaphore_mem>>
        %dma_start3A_815 = tpu.memref_slice %arg5[%add3A_663] : memref<1024xi32, #tpu.memory_space<vmem>> -> memref<256xi32, #tpu.memory_space<vmem>>
        %dma_start3A_816 = tpu.memref_slice %arg3[%add3A_659] : memref<204800xi32, #tpu.memory_space<hbm>> -> memref<256xi32, #tpu.memory_space<hbm>>
        %dma_start3A_817 = tpu.memref_slice %arg5[%add3A_663] : memref<1024xi32, #tpu.memory_space<vmem>> -> memref<256xi32, #tpu.memory_space<vmem>>
        %dma_start3A_818 = tpu.memref_slice %arg3[%add3A_659] : memref<204800xi32, #tpu.memory_space<hbm>> -> memref<256xi32, #tpu.memory_space<hbm>>
        tpu.enqueue_dma source(%dma_start3A_818 : memref<256xi32, #tpu.memory_space<hbm>>) target(%dma_start3A_817 : memref<256xi32, #tpu.memory_space<vmem>>) target_semaphore(%run_scoped3A : memref<!tpu.dma_semaphore, #tpu.memory_space<semaphore_mem>>)
        %dma_wait3A_819 = tpu.memref_slice %arg5[%add3A_663] : memref<1024xi32, #tpu.memory_space<vmem>> -> memref<256xi32, #tpu.memory_space<vmem>>
        %dma_wait3A_820 = tpu.memref_slice %arg3[%add3A_659] : memref<204800xi32, #tpu.memory_space<hbm>> -> memref<256xi32, #tpu.memory_space<hbm>>
        %dma_wait3A_821 = tpu.memref_slice %arg5[%add3A_663] : memref<1024xi32, #tpu.memory_space<vmem>> -> memref<256xi32, #tpu.memory_space<vmem>>
        %dma_wait3A_822 = tpu.memref_slice %arg3[%add3A_659] : memref<204800xi32, #tpu.memory_space<hbm>> -> memref<256xi32, #tpu.memory_space<hbm>>
        tpu.wait_dma2 semaphore(%run_scoped3A : memref<!tpu.dma_semaphore, #tpu.memory_space<semaphore_mem>>) src(%dma_wait3A_822 : memref<256xi32, #tpu.memory_space<hbm>>) dst(%dma_wait3A_821 : memref<256xi32, #tpu.memory_space<vmem>>)
        tpu.yield
      }) : () -> ()
      %dma_wait3A_664 = arith.constant 0 : i32
      %dma_wait3A_665 = arith.constant 0 : i32
      %dma_wait3A_666 = tpu.memref_slice %arg6[%rem3A_541, %dma_wait3A_664, %dma_wait3A_665] : memref<2x512x64xf32, #tpu.memory_space<vmem>> -> memref<1x512x64xf32, #tpu.memory_space<vmem>>
      %dma_wait3A_667 = tpu.memref_squeeze %dma_wait3A_666 : memref<1x512x64xf32, #tpu.memory_space<vmem>> -> memref<512x64xf32, #tpu.memory_space<vmem>>
      %dma_wait3A_668 = arith.constant 0 : i32
      %dma_wait3A_669 = arith.constant 0 : i32
      %dma_wait3A_670 = tpu.memref_slice %dma_wait3A_667[%dma_wait3A_668, %dma_wait3A_669] : memref<512x64xf32, #tpu.memory_space<vmem>> -> memref<128x64xf32, #tpu.memory_space<vmem>>
      %dma_wait3A_671 = tpu.memref_slice %arg5[%add3A_545] : memref<1024xi32, #tpu.memory_space<vmem>> -> memref<128xi32, #tpu.memory_space<vmem>>
      %dma_wait3A_672 = arith.constant 0 : i32
      %dma_wait3A_673 = arith.constant 0 : i32
      %dma_wait3A_674 = tpu.memref_slice %arg2[%dma_wait3A_672, %dma_wait3A_673] : memref<114688x64xf32, #tpu.memory_space<hbm>> -> memref<114688x64xf32, #tpu.memory_space<hbm>>
      tpu.wait_indirect_dma semaphore(%arg7 : memref<!tpu.dma_semaphore, #tpu.memory_space<semaphore_mem>>) src(%dma_wait3A_674 : memref<114688x64xf32, #tpu.memory_space<hbm>>) dst(%dma_wait3A_670 : memref<128x64xf32, #tpu.memory_space<vmem>>)
      %dma_wait3A_675 = arith.constant 0 : i32
      %dma_wait3A_676 = arith.constant 0 : i32
      %dma_wait3A_677 = tpu.memref_slice %arg6[%rem3A_541, %dma_wait3A_675, %dma_wait3A_676] : memref<2x512x64xf32, #tpu.memory_space<vmem>> -> memref<1x512x64xf32, #tpu.memory_space<vmem>>
      %dma_wait3A_678 = tpu.memref_squeeze %dma_wait3A_677 : memref<1x512x64xf32, #tpu.memory_space<vmem>> -> memref<512x64xf32, #tpu.memory_space<vmem>>
      %dma_wait3A_679 = arith.constant 128 : i32
      %dma_wait3A_680 = arith.constant 0 : i32
      %dma_wait3A_681 = tpu.memref_slice %dma_wait3A_678[%dma_wait3A_679, %dma_wait3A_680] : memref<512x64xf32, #tpu.memory_space<vmem>> -> memref<128x64xf32, #tpu.memory_space<vmem>>
      %dma_wait3A_682 = tpu.memref_slice %arg5[%add3A_560] : memref<1024xi32, #tpu.memory_space<vmem>> -> memref<128xi32, #tpu.memory_space<vmem>>
      %dma_wait3A_683 = arith.constant 0 : i32
      %dma_wait3A_684 = arith.constant 0 : i32
      %dma_wait3A_685 = tpu.memref_slice %arg2[%dma_wait3A_683, %dma_wait3A_684] : memref<114688x64xf32, #tpu.memory_space<hbm>> -> memref<114688x64xf32, #tpu.memory_space<hbm>>
      tpu.wait_indirect_dma semaphore(%arg7 : memref<!tpu.dma_semaphore, #tpu.memory_space<semaphore_mem>>) src(%dma_wait3A_685 : memref<114688x64xf32, #tpu.memory_space<hbm>>) dst(%dma_wait3A_681 : memref<128x64xf32, #tpu.memory_space<vmem>>)
      %dma_wait3A_686 = arith.constant 0 : i32
      %dma_wait3A_687 = arith.constant 0 : i32
      %dma_wait3A_688 = tpu.memref_slice %arg6[%rem3A_541, %dma_wait3A_686, %dma_wait3A_687] : memref<2x512x64xf32, #tpu.memory_space<vmem>> -> memref<1x512x64xf32, #tpu.memory_space<vmem>>
      %dma_wait3A_689 = tpu.memref_squeeze %dma_wait3A_688 : memref<1x512x64xf32, #tpu.memory_space<vmem>> -> memref<512x64xf32, #tpu.memory_space<vmem>>
      %dma_wait3A_690 = arith.constant 256 : i32
      %dma_wait3A_691 = arith.constant 0 : i32
      %dma_wait3A_692 = tpu.memref_slice %dma_wait3A_689[%dma_wait3A_690, %dma_wait3A_691] : memref<512x64xf32, #tpu.memory_space<vmem>> -> memref<128x64xf32, #tpu.memory_space<vmem>>
      %dma_wait3A_693 = tpu.memref_slice %arg5[%add3A_575] : memref<1024xi32, #tpu.memory_space<vmem>> -> memref<128xi32, #tpu.memory_space<vmem>>
      %dma_wait3A_694 = arith.constant 0 : i32
      %dma_wait3A_695 = arith.constant 0 : i32
      %dma_wait3A_696 = tpu.memref_slice %arg2[%dma_wait3A_694, %dma_wait3A_695] : memref<114688x64xf32, #tpu.memory_space<hbm>> -> memref<114688x64xf32, #tpu.memory_space<hbm>>
      tpu.wait_indirect_dma semaphore(%arg7 : memref<!tpu.dma_semaphore, #tpu.memory_space<semaphore_mem>>) src(%dma_wait3A_696 : memref<114688x64xf32, #tpu.memory_space<hbm>>) dst(%dma_wait3A_692 : memref<128x64xf32, #tpu.memory_space<vmem>>)
      %dma_wait3A_697 = arith.constant 0 : i32
      %dma_wait3A_698 = arith.constant 0 : i32
      %dma_wait3A_699 = tpu.memref_slice %arg6[%rem3A_541, %dma_wait3A_697, %dma_wait3A_698] : memref<2x512x64xf32, #tpu.memory_space<vmem>> -> memref<1x512x64xf32, #tpu.memory_space<vmem>>
      %dma_wait3A_700 = tpu.memref_squeeze %dma_wait3A_699 : memref<1x512x64xf32, #tpu.memory_space<vmem>> -> memref<512x64xf32, #tpu.memory_space<vmem>>
      %dma_wait3A_701 = arith.constant 384 : i32
      %dma_wait3A_702 = arith.constant 0 : i32
      %dma_wait3A_703 = tpu.memref_slice %dma_wait3A_700[%dma_wait3A_701, %dma_wait3A_702] : memref<512x64xf32, #tpu.memory_space<vmem>> -> memref<128x64xf32, #tpu.memory_space<vmem>>
      %dma_wait3A_704 = tpu.memref_slice %arg5[%add3A_590] : memref<1024xi32, #tpu.memory_space<vmem>> -> memref<128xi32, #tpu.memory_space<vmem>>
      %dma_wait3A_705 = arith.constant 0 : i32
      %dma_wait3A_706 = arith.constant 0 : i32
      %dma_wait3A_707 = tpu.memref_slice %arg2[%dma_wait3A_705, %dma_wait3A_706] : memref<114688x64xf32, #tpu.memory_space<hbm>> -> memref<114688x64xf32, #tpu.memory_space<hbm>>
      tpu.wait_indirect_dma semaphore(%arg7 : memref<!tpu.dma_semaphore, #tpu.memory_space<semaphore_mem>>) src(%dma_wait3A_707 : memref<114688x64xf32, #tpu.memory_space<hbm>>) dst(%dma_wait3A_703 : memref<128x64xf32, #tpu.memory_space<vmem>>)
      %sub3A_708 = arith.constant 1 : i32
      %sub3A_709 = arith.subi %scan3A_539, %sub3A_708 : i32
      %rem3A_710 = arith.constant 2 : i32
      %rem3A_711 = arith.remsi %sub3A_709, %rem3A_710 : i32
      %dma_wait3A_712 = arith.constant 0 : i32
      %dma_wait3A_713 = arith.constant 0 : i32
      %dma_wait3A_714 = tpu.memref_slice %arg6[%rem3A_711, %dma_wait3A_712, %dma_wait3A_713] : memref<2x512x64xf32, #tpu.memory_space<vmem>> -> memref<1x512x64xf32, #tpu.memory_space<vmem>>
      %dma_wait3A_715 = tpu.memref_squeeze %dma_wait3A_714 : memref<1x512x64xf32, #tpu.memory_space<vmem>> -> memref<512x64xf32, #tpu.memory_space<vmem>>
      %dma_wait3A_716 = arith.constant 0 : i32
      %dma_wait3A_717 = arith.constant 0 : i32
      %dma_wait3A_718 = tpu.memref_slice %dma_wait3A_715[%dma_wait3A_716, %dma_wait3A_717] : memref<512x64xf32, #tpu.memory_space<vmem>> -> memref<256x64xf32, #tpu.memory_space<vmem>>
      %dma_wait3A_719 = arith.constant 0 : i32
      %dma_wait3A_720 = arith.constant 0 : i32
      %dma_wait3A_721 = tpu.memref_slice %arg2[%dma_wait3A_719, %dma_wait3A_720] : memref<114688x64xf32, #tpu.memory_space<hbm>> -> memref<256x64xf32, #tpu.memory_space<hbm>>
      %dma_wait3A_722 = arith.constant 0 : i32
      %dma_wait3A_723 = arith.constant 0 : i32
      %dma_wait3A_724 = tpu.memref_slice %arg6[%rem3A_711, %dma_wait3A_722, %dma_wait3A_723] : memref<2x512x64xf32, #tpu.memory_space<vmem>> -> memref<1x512x64xf32, #tpu.memory_space<vmem>>
      %dma_wait3A_725 = tpu.memref_squeeze %dma_wait3A_724 : memref<1x512x64xf32, #tpu.memory_space<vmem>> -> memref<512x64xf32, #tpu.memory_space<vmem>>
      %dma_wait3A_726 = arith.constant 0 : i32
      %dma_wait3A_727 = arith.constant 0 : i32
      %dma_wait3A_728 = tpu.memref_slice %dma_wait3A_725[%dma_wait3A_726, %dma_wait3A_727] : memref<512x64xf32, #tpu.memory_space<vmem>> -> memref<256x64xf32, #tpu.memory_space<vmem>>
      %dma_wait3A_729 = arith.constant 0 : i32
      %dma_wait3A_730 = arith.constant 0 : i32
      %dma_wait3A_731 = tpu.memref_slice %arg2[%dma_wait3A_729, %dma_wait3A_730] : memref<114688x64xf32, #tpu.memory_space<hbm>> -> memref<256x64xf32, #tpu.memory_space<hbm>>
      tpu.wait_dma2 semaphore(%arg8 : memref<!tpu.dma_semaphore, #tpu.memory_space<semaphore_mem>>) src(%dma_wait3A_731 : memref<256x64xf32, #tpu.memory_space<hbm>>) dst(%dma_wait3A_728 : memref<256x64xf32, #tpu.memory_space<vmem>>)
      %dma_wait3A_732 = arith.constant 0 : i32
      %dma_wait3A_733 = arith.constant 0 : i32
      %dma_wait3A_734 = tpu.memref_slice %arg6[%rem3A_711, %dma_wait3A_732, %dma_wait3A_733] : memref<2x512x64xf32, #tpu.memory_space<vmem>> -> memref<1x512x64xf32, #tpu.memory_space<vmem>>
      %dma_wait3A_735 = tpu.memref_squeeze %dma_wait3A_734 : memref<1x512x64xf32, #tpu.memory_space<vmem>> -> memref<512x64xf32, #tpu.memory_space<vmem>>
      %dma_wait3A_736 = arith.constant 256 : i32
      %dma_wait3A_737 = arith.constant 0 : i32
      %dma_wait3A_738 = tpu.memref_slice %dma_wait3A_735[%dma_wait3A_736, %dma_wait3A_737] : memref<512x64xf32, #tpu.memory_space<vmem>> -> memref<256x64xf32, #tpu.memory_space<vmem>>
      %dma_wait3A_739 = arith.constant 0 : i32
      %dma_wait3A_740 = arith.constant 0 : i32
      %dma_wait3A_741 = tpu.memref_slice %arg2[%dma_wait3A_739, %dma_wait3A_740] : memref<114688x64xf32, #tpu.memory_space<hbm>> -> memref<256x64xf32, #tpu.memory_space<hbm>>
      %dma_wait3A_742 = arith.constant 0 : i32
      %dma_wait3A_743 = arith.constant 0 : i32
      %dma_wait3A_744 = tpu.memref_slice %arg6[%rem3A_711, %dma_wait3A_742, %dma_wait3A_743] : memref<2x512x64xf32, #tpu.memory_space<vmem>> -> memref<1x512x64xf32, #tpu.memory_space<vmem>>
      %dma_wait3A_745 = tpu.memref_squeeze %dma_wait3A_744 : memref<1x512x64xf32, #tpu.memory_space<vmem>> -> memref<512x64xf32, #tpu.memory_space<vmem>>
      %dma_wait3A_746 = arith.constant 256 : i32
      %dma_wait3A_747 = arith.constant 0 : i32
      %dma_wait3A_748 = tpu.memref_slice %dma_wait3A_745[%dma_wait3A_746, %dma_wait3A_747] : memref<512x64xf32, #tpu.memory_space<vmem>> -> memref<256x64xf32, #tpu.memory_space<vmem>>
      %dma_wait3A_749 = arith.constant 0 : i32
      %dma_wait3A_750 = arith.constant 0 : i32
      %dma_wait3A_751 = tpu.memref_slice %arg2[%dma_wait3A_749, %dma_wait3A_750] : memref<114688x64xf32, #tpu.memory_space<hbm>> -> memref<256x64xf32, #tpu.memory_space<hbm>>
      tpu.wait_dma2 semaphore(%arg8 : memref<!tpu.dma_semaphore, #tpu.memory_space<semaphore_mem>>) src(%dma_wait3A_751 : memref<256x64xf32, #tpu.memory_space<hbm>>) dst(%dma_wait3A_748 : memref<256x64xf32, #tpu.memory_space<vmem>>)
      %rem3A_752 = arith.constant 2 : i32
      %rem3A_753 = arith.remsi %scan3A_539, %rem3A_752 : i32
      %mul3A_754 = arith.constant 32 : i32
      %mul3A_755 = arith.muli %mul3A_754, %scan3A_539 : i32
      %add3A_756 = arith.addi %add3A, %mul3A_755 : i32
      %min3A_757 = arith.constant 399 : i32
      %min3A_758 = arith.minsi %add3A_756, %min3A_757 : i32
      %dma_start3A_759 = arith.constant 0 : i32
      %dma_start3A_760 = arith.constant 0 : i32
      %dma_start3A_761 = tpu.memref_slice %arg6[%rem3A_753, %dma_start3A_759, %dma_start3A_760] : memref<2x512x64xf32, #tpu.memory_space<vmem>> -> memref<1x512x64xf32, #tpu.memory_space<vmem>>
      %dma_start3A_762 = tpu.memref_squeeze %dma_start3A_761 : memref<1x512x64xf32, #tpu.memory_space<vmem>> -> memref<512x64xf32, #tpu.memory_space<vmem>>
      %dma_start3A_763 = arith.constant 0 : i32
      %dma_start3A_764 = arith.constant 0 : i32
      %dma_start3A_765 = tpu.memref_slice %dma_start3A_762[%dma_start3A_763, %dma_start3A_764] : memref<512x64xf32, #tpu.memory_space<vmem>> -> memref<256x64xf32, #tpu.memory_space<vmem>>
      %dma_start3A_766 = arith.constant 0 : i32
      %dma_start3A_767 = arith.constant 0 : i32
      %dma_start3A_768 = tpu.memref_slice %arg4[%min3A_758, %dma_start3A_766, %dma_start3A_767] : memref<400x256x128xf32, #tpu.memory_space<hbm>> -> memref<1x256x128xf32, #tpu.memory_space<hbm>>
      %dma_start3A_769 = tpu.memref_squeeze %dma_start3A_768 : memref<1x256x128xf32, #tpu.memory_space<hbm>> -> memref<256x128xf32, #tpu.memory_space<hbm>>
      %dma_start3A_770 = arith.constant 0 : i32
      %dma_start3A_771 = arith.constant 0 : i32
      %dma_start3A_772 = tpu.memref_slice %dma_start3A_769[%dma_start3A_770, %dma_start3A_771] : memref<256x128xf32, #tpu.memory_space<hbm>> -> memref<256x64xf32, #tpu.memory_space<hbm>>
      %dma_start3A_773 = arith.constant 0 : i32
      %dma_start3A_774 = arith.constant 0 : i32
      %dma_start3A_775 = tpu.memref_slice %arg4[%min3A_758, %dma_start3A_773, %dma_start3A_774] : memref<400x256x128xf32, #tpu.memory_space<hbm>> -> memref<1x256x128xf32, #tpu.memory_space<hbm>>
      %dma_start3A_776 = tpu.memref_squeeze %dma_start3A_775 : memref<1x256x128xf32, #tpu.memory_space<hbm>> -> memref<256x128xf32, #tpu.memory_space<hbm>>
      %dma_start3A_777 = arith.constant 0 : i32
      %dma_start3A_778 = arith.constant 0 : i32
      %dma_start3A_779 = tpu.memref_slice %dma_start3A_776[%dma_start3A_777, %dma_start3A_778] : memref<256x128xf32, #tpu.memory_space<hbm>> -> memref<256x64xf32, #tpu.memory_space<hbm>>
      %dma_start3A_780 = arith.constant 0 : i32
      %dma_start3A_781 = arith.constant 0 : i32
      %dma_start3A_782 = tpu.memref_slice %arg6[%rem3A_753, %dma_start3A_780, %dma_start3A_781] : memref<2x512x64xf32, #tpu.memory_space<vmem>> -> memref<1x512x64xf32, #tpu.memory_space<vmem>>
      %dma_start3A_783 = tpu.memref_squeeze %dma_start3A_782 : memref<1x512x64xf32, #tpu.memory_space<vmem>> -> memref<512x64xf32, #tpu.memory_space<vmem>>
      %dma_start3A_784 = arith.constant 0 : i32
      %dma_start3A_785 = arith.constant 0 : i32
      %dma_start3A_786 = tpu.memref_slice %dma_start3A_783[%dma_start3A_784, %dma_start3A_785] : memref<512x64xf32, #tpu.memory_space<vmem>> -> memref<256x64xf32, #tpu.memory_space<vmem>>
      tpu.enqueue_dma source(%dma_start3A_786 : memref<256x64xf32, #tpu.memory_space<vmem>>) target(%dma_start3A_779 : memref<256x64xf32, #tpu.memory_space<hbm>>) target_semaphore(%arg8 : memref<!tpu.dma_semaphore, #tpu.memory_space<semaphore_mem>>)
      %dma_start3A_787 = arith.constant 0 : i32
      %dma_start3A_788 = arith.constant 0 : i32
      %dma_start3A_789 = tpu.memref_slice %arg6[%rem3A_753, %dma_start3A_787, %dma_start3A_788] : memref<2x512x64xf32, #tpu.memory_space<vmem>> -> memref<1x512x64xf32, #tpu.memory_space<vmem>>
      %dma_start3A_790 = tpu.memref_squeeze %dma_start3A_789 : memref<1x512x64xf32, #tpu.memory_space<vmem>> -> memref<512x64xf32, #tpu.memory_space<vmem>>
      %dma_start3A_791 = arith.constant 256 : i32
      %dma_start3A_792 = arith.constant 0 : i32
      %dma_start3A_793 = tpu.memref_slice %dma_start3A_790[%dma_start3A_791, %dma_start3A_792] : memref<512x64xf32, #tpu.memory_space<vmem>> -> memref<256x64xf32, #tpu.memory_space<vmem>>
      %dma_start3A_794 = arith.constant 0 : i32
      %dma_start3A_795 = arith.constant 0 : i32
      %dma_start3A_796 = tpu.memref_slice %arg4[%min3A_758, %dma_start3A_794, %dma_start3A_795] : memref<400x256x128xf32, #tpu.memory_space<hbm>> -> memref<1x256x128xf32, #tpu.memory_space<hbm>>
      %dma_start3A_797 = tpu.memref_squeeze %dma_start3A_796 : memref<1x256x128xf32, #tpu.memory_space<hbm>> -> memref<256x128xf32, #tpu.memory_space<hbm>>
      %dma_start3A_798 = arith.constant 0 : i32
      %dma_start3A_799 = arith.constant 64 : i32
      %dma_start3A_800 = tpu.memref_slice %dma_start3A_797[%dma_start3A_798, %dma_start3A_799] : memref<256x128xf32, #tpu.memory_space<hbm>> -> memref<256x64xf32, #tpu.memory_space<hbm>>
      %dma_start3A_801 = arith.constant 0 : i32
      %dma_start3A_802 = arith.constant 0 : i32
      %dma_start3A_803 = tpu.memref_slice %arg4[%min3A_758, %dma_start3A_801, %dma_start3A_802] : memref<400x256x128xf32, #tpu.memory_space<hbm>> -> memref<1x256x128xf32, #tpu.memory_space<hbm>>
      %dma_start3A_804 = tpu.memref_squeeze %dma_start3A_803 : memref<1x256x128xf32, #tpu.memory_space<hbm>> -> memref<256x128xf32, #tpu.memory_space<hbm>>
      %dma_start3A_805 = arith.constant 0 : i32
      %dma_start3A_806 = arith.constant 64 : i32
      %dma_start3A_807 = tpu.memref_slice %dma_start3A_804[%dma_start3A_805, %dma_start3A_806] : memref<256x128xf32, #tpu.memory_space<hbm>> -> memref<256x64xf32, #tpu.memory_space<hbm>>
      %dma_start3A_808 = arith.constant 0 : i32
      %dma_start3A_809 = arith.constant 0 : i32
      %dma_start3A_810 = tpu.memref_slice %arg6[%rem3A_753, %dma_start3A_808, %dma_start3A_809] : memref<2x512x64xf32, #tpu.memory_space<vmem>> -> memref<1x512x64xf32, #tpu.memory_space<vmem>>
      %dma_start3A_811 = tpu.memref_squeeze %dma_start3A_810 : memref<1x512x64xf32, #tpu.memory_space<vmem>> -> memref<512x64xf32, #tpu.memory_space<vmem>>
      %dma_start3A_812 = arith.constant 256 : i32
      %dma_start3A_813 = arith.constant 0 : i32
      %dma_start3A_814 = tpu.memref_slice %dma_start3A_811[%dma_start3A_812, %dma_start3A_813] : memref<512x64xf32, #tpu.memory_space<vmem>> -> memref<256x64xf32, #tpu.memory_space<vmem>>
      tpu.enqueue_dma source(%dma_start3A_814 : memref<256x64xf32, #tpu.memory_space<vmem>>) target(%dma_start3A_807 : memref<256x64xf32, #tpu.memory_space<hbm>>) target_semaphore(%arg8 : memref<!tpu.dma_semaphore, #tpu.memory_space<semaphore_mem>>)
    }
    %scan3A_282 = arith.constant 11 : i32
    %rem3A_283 = arith.constant 12 : i32
    %rem3A_284 = arith.constant 2 : i32
    %rem3A_285 = arith.remsi %rem3A_283, %rem3A_284 : i32
    %mul3A_286 = arith.constant 512 : i32
    %mul3A_287 = arith.muli %mul3A_286, %rem3A_285 : i32
    %add3A_288 = arith.constant 0 : i32
    %add3A_289 = arith.addi %mul3A_287, %add3A_288 : i32
    %dma_start3A_290 = arith.constant 0 : i32
    %dma_start3A_291 = arith.constant 0 : i32
    %dma_start3A_292 = tpu.memref_slice %arg6[%rem3A_285, %dma_start3A_290, %dma_start3A_291] : memref<2x512x64xf32, #tpu.memory_space<vmem>> -> memref<1x512x64xf32, #tpu.memory_space<vmem>>
    %dma_start3A_293 = tpu.memref_squeeze %dma_start3A_292 : memref<1x512x64xf32, #tpu.memory_space<vmem>> -> memref<512x64xf32, #tpu.memory_space<vmem>>
    %dma_start3A_294 = arith.constant 0 : i32
    %dma_start3A_295 = arith.constant 0 : i32
    %dma_start3A_296 = tpu.memref_slice %dma_start3A_293[%dma_start3A_294, %dma_start3A_295] : memref<512x64xf32, #tpu.memory_space<vmem>> -> memref<128x64xf32, #tpu.memory_space<vmem>>
    %dma_start3A_297 = tpu.memref_slice %arg5[%add3A_289] : memref<1024xi32, #tpu.memory_space<vmem>> -> memref<128xi32, #tpu.memory_space<vmem>>
    %dma_start3A_298 = arith.constant 0 : i32
    %dma_start3A_299 = arith.constant 0 : i32
    %dma_start3A_300 = tpu.memref_slice %arg2[%dma_start3A_298, %dma_start3A_299] : memref<114688x64xf32, #tpu.memory_space<hbm>> -> memref<114688x64xf32, #tpu.memory_space<hbm>>
    tpu.enqueue_indirect_dma source(%dma_start3A_300 : memref<114688x64xf32, #tpu.memory_space<hbm>>) target(%dma_start3A_296 : memref<128x64xf32, #tpu.memory_space<vmem>>) offsets(%dma_start3A_297 : memref<128xi32, #tpu.memory_space<vmem>>) semaphore(%arg7 : memref<!tpu.dma_semaphore, #tpu.memory_space<semaphore_mem>>)
    %mul3A_301 = arith.constant 512 : i32
    %mul3A_302 = arith.muli %mul3A_301, %rem3A_285 : i32
    %add3A_303 = arith.constant 128 : i32
    %add3A_304 = arith.addi %mul3A_302, %add3A_303 : i32
    %dma_start3A_305 = arith.constant 0 : i32
    %dma_start3A_306 = arith.constant 0 : i32
    %dma_start3A_307 = tpu.memref_slice %arg6[%rem3A_285, %dma_start3A_305, %dma_start3A_306] : memref<2x512x64xf32, #tpu.memory_space<vmem>> -> memref<1x512x64xf32, #tpu.memory_space<vmem>>
    %dma_start3A_308 = tpu.memref_squeeze %dma_start3A_307 : memref<1x512x64xf32, #tpu.memory_space<vmem>> -> memref<512x64xf32, #tpu.memory_space<vmem>>
    %dma_start3A_309 = arith.constant 128 : i32
    %dma_start3A_310 = arith.constant 0 : i32
    %dma_start3A_311 = tpu.memref_slice %dma_start3A_308[%dma_start3A_309, %dma_start3A_310] : memref<512x64xf32, #tpu.memory_space<vmem>> -> memref<128x64xf32, #tpu.memory_space<vmem>>
    %dma_start3A_312 = tpu.memref_slice %arg5[%add3A_304] : memref<1024xi32, #tpu.memory_space<vmem>> -> memref<128xi32, #tpu.memory_space<vmem>>
    %dma_start3A_313 = arith.constant 0 : i32
    %dma_start3A_314 = arith.constant 0 : i32
    %dma_start3A_315 = tpu.memref_slice %arg2[%dma_start3A_313, %dma_start3A_314] : memref<114688x64xf32, #tpu.memory_space<hbm>> -> memref<114688x64xf32, #tpu.memory_space<hbm>>
    tpu.enqueue_indirect_dma source(%dma_start3A_315 : memref<114688x64xf32, #tpu.memory_space<hbm>>) target(%dma_start3A_311 : memref<128x64xf32, #tpu.memory_space<vmem>>) offsets(%dma_start3A_312 : memref<128xi32, #tpu.memory_space<vmem>>) semaphore(%arg7 : memref<!tpu.dma_semaphore, #tpu.memory_space<semaphore_mem>>)
    %mul3A_316 = arith.constant 512 : i32
    %mul3A_317 = arith.muli %mul3A_316, %rem3A_285 : i32
    %add3A_318 = arith.constant 256 : i32
    %add3A_319 = arith.addi %mul3A_317, %add3A_318 : i32
    %dma_start3A_320 = arith.constant 0 : i32
    %dma_start3A_321 = arith.constant 0 : i32
    %dma_start3A_322 = tpu.memref_slice %arg6[%rem3A_285, %dma_start3A_320, %dma_start3A_321] : memref<2x512x64xf32, #tpu.memory_space<vmem>> -> memref<1x512x64xf32, #tpu.memory_space<vmem>>
    %dma_start3A_323 = tpu.memref_squeeze %dma_start3A_322 : memref<1x512x64xf32, #tpu.memory_space<vmem>> -> memref<512x64xf32, #tpu.memory_space<vmem>>
    %dma_start3A_324 = arith.constant 256 : i32
    %dma_start3A_325 = arith.constant 0 : i32
    %dma_start3A_326 = tpu.memref_slice %dma_start3A_323[%dma_start3A_324, %dma_start3A_325] : memref<512x64xf32, #tpu.memory_space<vmem>> -> memref<128x64xf32, #tpu.memory_space<vmem>>
    %dma_start3A_327 = tpu.memref_slice %arg5[%add3A_319] : memref<1024xi32, #tpu.memory_space<vmem>> -> memref<128xi32, #tpu.memory_space<vmem>>
    %dma_start3A_328 = arith.constant 0 : i32
    %dma_start3A_329 = arith.constant 0 : i32
    %dma_start3A_330 = tpu.memref_slice %arg2[%dma_start3A_328, %dma_start3A_329] : memref<114688x64xf32, #tpu.memory_space<hbm>> -> memref<114688x64xf32, #tpu.memory_space<hbm>>
    tpu.enqueue_indirect_dma source(%dma_start3A_330 : memref<114688x64xf32, #tpu.memory_space<hbm>>) target(%dma_start3A_326 : memref<128x64xf32, #tpu.memory_space<vmem>>) offsets(%dma_start3A_327 : memref<128xi32, #tpu.memory_space<vmem>>) semaphore(%arg7 : memref<!tpu.dma_semaphore, #tpu.memory_space<semaphore_mem>>)
    %mul3A_331 = arith.constant 512 : i32
    %mul3A_332 = arith.muli %mul3A_331, %rem3A_285 : i32
    %add3A_333 = arith.constant 384 : i32
    %add3A_334 = arith.addi %mul3A_332, %add3A_333 : i32
    %dma_start3A_335 = arith.constant 0 : i32
    %dma_start3A_336 = arith.constant 0 : i32
    %dma_start3A_337 = tpu.memref_slice %arg6[%rem3A_285, %dma_start3A_335, %dma_start3A_336] : memref<2x512x64xf32, #tpu.memory_space<vmem>> -> memref<1x512x64xf32, #tpu.memory_space<vmem>>
    %dma_start3A_338 = tpu.memref_squeeze %dma_start3A_337 : memref<1x512x64xf32, #tpu.memory_space<vmem>> -> memref<512x64xf32, #tpu.memory_space<vmem>>
    %dma_start3A_339 = arith.constant 384 : i32
    %dma_start3A_340 = arith.constant 0 : i32
    %dma_start3A_341 = tpu.memref_slice %dma_start3A_338[%dma_start3A_339, %dma_start3A_340] : memref<512x64xf32, #tpu.memory_space<vmem>> -> memref<128x64xf32, #tpu.memory_space<vmem>>
    %dma_start3A_342 = tpu.memref_slice %arg5[%add3A_334] : memref<1024xi32, #tpu.memory_space<vmem>> -> memref<128xi32, #tpu.memory_space<vmem>>
    %dma_start3A_343 = arith.constant 0 : i32
    %dma_start3A_344 = arith.constant 0 : i32
    %dma_start3A_345 = tpu.memref_slice %arg2[%dma_start3A_343, %dma_start3A_344] : memref<114688x64xf32, #tpu.memory_space<hbm>> -> memref<114688x64xf32, #tpu.memory_space<hbm>>
    tpu.enqueue_indirect_dma source(%dma_start3A_345 : memref<114688x64xf32, #tpu.memory_space<hbm>>) target(%dma_start3A_341 : memref<128x64xf32, #tpu.memory_space<vmem>>) offsets(%dma_start3A_342 : memref<128xi32, #tpu.memory_space<vmem>>) semaphore(%arg7 : memref<!tpu.dma_semaphore, #tpu.memory_space<semaphore_mem>>)
    %dma_wait3A_346 = arith.constant 0 : i32
    %dma_wait3A_347 = arith.constant 0 : i32
    %dma_wait3A_348 = tpu.memref_slice %arg6[%rem3A_285, %dma_wait3A_346, %dma_wait3A_347] : memref<2x512x64xf32, #tpu.memory_space<vmem>> -> memref<1x512x64xf32, #tpu.memory_space<vmem>>
    %dma_wait3A_349 = tpu.memref_squeeze %dma_wait3A_348 : memref<1x512x64xf32, #tpu.memory_space<vmem>> -> memref<512x64xf32, #tpu.memory_space<vmem>>
    %dma_wait3A_350 = arith.constant 0 : i32
    %dma_wait3A_351 = arith.constant 0 : i32
    %dma_wait3A_352 = tpu.memref_slice %dma_wait3A_349[%dma_wait3A_350, %dma_wait3A_351] : memref<512x64xf32, #tpu.memory_space<vmem>> -> memref<128x64xf32, #tpu.memory_space<vmem>>
    %dma_wait3A_353 = tpu.memref_slice %arg5[%add3A_289] : memref<1024xi32, #tpu.memory_space<vmem>> -> memref<128xi32, #tpu.memory_space<vmem>>
    %dma_wait3A_354 = arith.constant 0 : i32
    %dma_wait3A_355 = arith.constant 0 : i32
    %dma_wait3A_356 = tpu.memref_slice %arg2[%dma_wait3A_354, %dma_wait3A_355] : memref<114688x64xf32, #tpu.memory_space<hbm>> -> memref<114688x64xf32, #tpu.memory_space<hbm>>
    tpu.wait_indirect_dma semaphore(%arg7 : memref<!tpu.dma_semaphore, #tpu.memory_space<semaphore_mem>>) src(%dma_wait3A_356 : memref<114688x64xf32, #tpu.memory_space<hbm>>) dst(%dma_wait3A_352 : memref<128x64xf32, #tpu.memory_space<vmem>>)
    %dma_wait3A_357 = arith.constant 0 : i32
    %dma_wait3A_358 = arith.constant 0 : i32
    %dma_wait3A_359 = tpu.memref_slice %arg6[%rem3A_285, %dma_wait3A_357, %dma_wait3A_358] : memref<2x512x64xf32, #tpu.memory_space<vmem>> -> memref<1x512x64xf32, #tpu.memory_space<vmem>>
    %dma_wait3A_360 = tpu.memref_squeeze %dma_wait3A_359 : memref<1x512x64xf32, #tpu.memory_space<vmem>> -> memref<512x64xf32, #tpu.memory_space<vmem>>
    %dma_wait3A_361 = arith.constant 128 : i32
    %dma_wait3A_362 = arith.constant 0 : i32
    %dma_wait3A_363 = tpu.memref_slice %dma_wait3A_360[%dma_wait3A_361, %dma_wait3A_362] : memref<512x64xf32, #tpu.memory_space<vmem>> -> memref<128x64xf32, #tpu.memory_space<vmem>>
    %dma_wait3A_364 = tpu.memref_slice %arg5[%add3A_304] : memref<1024xi32, #tpu.memory_space<vmem>> -> memref<128xi32, #tpu.memory_space<vmem>>
    %dma_wait3A_365 = arith.constant 0 : i32
    %dma_wait3A_366 = arith.constant 0 : i32
    %dma_wait3A_367 = tpu.memref_slice %arg2[%dma_wait3A_365, %dma_wait3A_366] : memref<114688x64xf32, #tpu.memory_space<hbm>> -> memref<114688x64xf32, #tpu.memory_space<hbm>>
    tpu.wait_indirect_dma semaphore(%arg7 : memref<!tpu.dma_semaphore, #tpu.memory_space<semaphore_mem>>) src(%dma_wait3A_367 : memref<114688x64xf32, #tpu.memory_space<hbm>>) dst(%dma_wait3A_363 : memref<128x64xf32, #tpu.memory_space<vmem>>)
    %dma_wait3A_368 = arith.constant 0 : i32
    %dma_wait3A_369 = arith.constant 0 : i32
    %dma_wait3A_370 = tpu.memref_slice %arg6[%rem3A_285, %dma_wait3A_368, %dma_wait3A_369] : memref<2x512x64xf32, #tpu.memory_space<vmem>> -> memref<1x512x64xf32, #tpu.memory_space<vmem>>
    %dma_wait3A_371 = tpu.memref_squeeze %dma_wait3A_370 : memref<1x512x64xf32, #tpu.memory_space<vmem>> -> memref<512x64xf32, #tpu.memory_space<vmem>>
    %dma_wait3A_372 = arith.constant 256 : i32
    %dma_wait3A_373 = arith.constant 0 : i32
    %dma_wait3A_374 = tpu.memref_slice %dma_wait3A_371[%dma_wait3A_372, %dma_wait3A_373] : memref<512x64xf32, #tpu.memory_space<vmem>> -> memref<128x64xf32, #tpu.memory_space<vmem>>
    %dma_wait3A_375 = tpu.memref_slice %arg5[%add3A_319] : memref<1024xi32, #tpu.memory_space<vmem>> -> memref<128xi32, #tpu.memory_space<vmem>>
    %dma_wait3A_376 = arith.constant 0 : i32
    %dma_wait3A_377 = arith.constant 0 : i32
    %dma_wait3A_378 = tpu.memref_slice %arg2[%dma_wait3A_376, %dma_wait3A_377] : memref<114688x64xf32, #tpu.memory_space<hbm>> -> memref<114688x64xf32, #tpu.memory_space<hbm>>
    tpu.wait_indirect_dma semaphore(%arg7 : memref<!tpu.dma_semaphore, #tpu.memory_space<semaphore_mem>>) src(%dma_wait3A_378 : memref<114688x64xf32, #tpu.memory_space<hbm>>) dst(%dma_wait3A_374 : memref<128x64xf32, #tpu.memory_space<vmem>>)
    %dma_wait3A_379 = arith.constant 0 : i32
    %dma_wait3A_380 = arith.constant 0 : i32
    %dma_wait3A_381 = tpu.memref_slice %arg6[%rem3A_285, %dma_wait3A_379, %dma_wait3A_380] : memref<2x512x64xf32, #tpu.memory_space<vmem>> -> memref<1x512x64xf32, #tpu.memory_space<vmem>>
    %dma_wait3A_382 = tpu.memref_squeeze %dma_wait3A_381 : memref<1x512x64xf32, #tpu.memory_space<vmem>> -> memref<512x64xf32, #tpu.memory_space<vmem>>
    %dma_wait3A_383 = arith.constant 384 : i32
    %dma_wait3A_384 = arith.constant 0 : i32
    %dma_wait3A_385 = tpu.memref_slice %dma_wait3A_382[%dma_wait3A_383, %dma_wait3A_384] : memref<512x64xf32, #tpu.memory_space<vmem>> -> memref<128x64xf32, #tpu.memory_space<vmem>>
    %dma_wait3A_386 = tpu.memref_slice %arg5[%add3A_334] : memref<1024xi32, #tpu.memory_space<vmem>> -> memref<128xi32, #tpu.memory_space<vmem>>
    %dma_wait3A_387 = arith.constant 0 : i32
    %dma_wait3A_388 = arith.constant 0 : i32
    %dma_wait3A_389 = tpu.memref_slice %arg2[%dma_wait3A_387, %dma_wait3A_388] : memref<114688x64xf32, #tpu.memory_space<hbm>> -> memref<114688x64xf32, #tpu.memory_space<hbm>>
    tpu.wait_indirect_dma semaphore(%arg7 : memref<!tpu.dma_semaphore, #tpu.memory_space<semaphore_mem>>) src(%dma_wait3A_389 : memref<114688x64xf32, #tpu.memory_space<hbm>>) dst(%dma_wait3A_385 : memref<128x64xf32, #tpu.memory_space<vmem>>)
    %rem3A_390 = arith.constant 11 : i32
    %rem3A_391 = arith.constant 2 : i32
    %rem3A_392 = arith.remsi %rem3A_390, %rem3A_391 : i32
    %dma_wait3A_393 = arith.constant 0 : i32
    %dma_wait3A_394 = arith.constant 0 : i32
    %dma_wait3A_395 = tpu.memref_slice %arg6[%rem3A_392, %dma_wait3A_393, %dma_wait3A_394] : memref<2x512x64xf32, #tpu.memory_space<vmem>> -> memref<1x512x64xf32, #tpu.memory_space<vmem>>
    %dma_wait3A_396 = tpu.memref_squeeze %dma_wait3A_395 : memref<1x512x64xf32, #tpu.memory_space<vmem>> -> memref<512x64xf32, #tpu.memory_space<vmem>>
    %dma_wait3A_397 = arith.constant 0 : i32
    %dma_wait3A_398 = arith.constant 0 : i32
    %dma_wait3A_399 = tpu.memref_slice %dma_wait3A_396[%dma_wait3A_397, %dma_wait3A_398] : memref<512x64xf32, #tpu.memory_space<vmem>> -> memref<256x64xf32, #tpu.memory_space<vmem>>
    %dma_wait3A_400 = arith.constant 0 : i32
    %dma_wait3A_401 = arith.constant 0 : i32
    %dma_wait3A_402 = tpu.memref_slice %arg2[%dma_wait3A_400, %dma_wait3A_401] : memref<114688x64xf32, #tpu.memory_space<hbm>> -> memref<256x64xf32, #tpu.memory_space<hbm>>
    %dma_wait3A_403 = arith.constant 0 : i32
    %dma_wait3A_404 = arith.constant 0 : i32
    %dma_wait3A_405 = tpu.memref_slice %arg6[%rem3A_392, %dma_wait3A_403, %dma_wait3A_404] : memref<2x512x64xf32, #tpu.memory_space<vmem>> -> memref<1x512x64xf32, #tpu.memory_space<vmem>>
    %dma_wait3A_406 = tpu.memref_squeeze %dma_wait3A_405 : memref<1x512x64xf32, #tpu.memory_space<vmem>> -> memref<512x64xf32, #tpu.memory_space<vmem>>
    %dma_wait3A_407 = arith.constant 0 : i32
    %dma_wait3A_408 = arith.constant 0 : i32
    %dma_wait3A_409 = tpu.memref_slice %dma_wait3A_406[%dma_wait3A_407, %dma_wait3A_408] : memref<512x64xf32, #tpu.memory_space<vmem>> -> memref<256x64xf32, #tpu.memory_space<vmem>>
    %dma_wait3A_410 = arith.constant 0 : i32
    %dma_wait3A_411 = arith.constant 0 : i32
    %dma_wait3A_412 = tpu.memref_slice %arg2[%dma_wait3A_410, %dma_wait3A_411] : memref<114688x64xf32, #tpu.memory_space<hbm>> -> memref<256x64xf32, #tpu.memory_space<hbm>>
    tpu.wait_dma2 semaphore(%arg8 : memref<!tpu.dma_semaphore, #tpu.memory_space<semaphore_mem>>) src(%dma_wait3A_412 : memref<256x64xf32, #tpu.memory_space<hbm>>) dst(%dma_wait3A_409 : memref<256x64xf32, #tpu.memory_space<vmem>>)
    %dma_wait3A_413 = arith.constant 0 : i32
    %dma_wait3A_414 = arith.constant 0 : i32
    %dma_wait3A_415 = tpu.memref_slice %arg6[%rem3A_392, %dma_wait3A_413, %dma_wait3A_414] : memref<2x512x64xf32, #tpu.memory_space<vmem>> -> memref<1x512x64xf32, #tpu.memory_space<vmem>>
    %dma_wait3A_416 = tpu.memref_squeeze %dma_wait3A_415 : memref<1x512x64xf32, #tpu.memory_space<vmem>> -> memref<512x64xf32, #tpu.memory_space<vmem>>
    %dma_wait3A_417 = arith.constant 256 : i32
    %dma_wait3A_418 = arith.constant 0 : i32
    %dma_wait3A_419 = tpu.memref_slice %dma_wait3A_416[%dma_wait3A_417, %dma_wait3A_418] : memref<512x64xf32, #tpu.memory_space<vmem>> -> memref<256x64xf32, #tpu.memory_space<vmem>>
    %dma_wait3A_420 = arith.constant 0 : i32
    %dma_wait3A_421 = arith.constant 0 : i32
    %dma_wait3A_422 = tpu.memref_slice %arg2[%dma_wait3A_420, %dma_wait3A_421] : memref<114688x64xf32, #tpu.memory_space<hbm>> -> memref<256x64xf32, #tpu.memory_space<hbm>>
    %dma_wait3A_423 = arith.constant 0 : i32
    %dma_wait3A_424 = arith.constant 0 : i32
    %dma_wait3A_425 = tpu.memref_slice %arg6[%rem3A_392, %dma_wait3A_423, %dma_wait3A_424] : memref<2x512x64xf32, #tpu.memory_space<vmem>> -> memref<1x512x64xf32, #tpu.memory_space<vmem>>
    %dma_wait3A_426 = tpu.memref_squeeze %dma_wait3A_425 : memref<1x512x64xf32, #tpu.memory_space<vmem>> -> memref<512x64xf32, #tpu.memory_space<vmem>>
    %dma_wait3A_427 = arith.constant 256 : i32
    %dma_wait3A_428 = arith.constant 0 : i32
    %dma_wait3A_429 = tpu.memref_slice %dma_wait3A_426[%dma_wait3A_427, %dma_wait3A_428] : memref<512x64xf32, #tpu.memory_space<vmem>> -> memref<256x64xf32, #tpu.memory_space<vmem>>
    %dma_wait3A_430 = arith.constant 0 : i32
    %dma_wait3A_431 = arith.constant 0 : i32
    %dma_wait3A_432 = tpu.memref_slice %arg2[%dma_wait3A_430, %dma_wait3A_431] : memref<114688x64xf32, #tpu.memory_space<hbm>> -> memref<256x64xf32, #tpu.memory_space<hbm>>
    tpu.wait_dma2 semaphore(%arg8 : memref<!tpu.dma_semaphore, #tpu.memory_space<semaphore_mem>>) src(%dma_wait3A_432 : memref<256x64xf32, #tpu.memory_space<hbm>>) dst(%dma_wait3A_429 : memref<256x64xf32, #tpu.memory_space<vmem>>)
    %rem3A_433 = arith.constant 12 : i32
    %rem3A_434 = arith.constant 2 : i32
    %rem3A_435 = arith.remsi %rem3A_433, %rem3A_434 : i32
    %add3A_436 = arith.constant 384 : i32
    %add3A_437 = arith.addi %add3A, %add3A_436 : i32
    %min3A_438 = arith.constant 399 : i32
    %min3A_439 = arith.minsi %add3A_437, %min3A_438 : i32
    %dma_start3A_440 = arith.constant 0 : i32
    %dma_start3A_441 = arith.constant 0 : i32
    %dma_start3A_442 = tpu.memref_slice %arg6[%rem3A_435, %dma_start3A_440, %dma_start3A_441] : memref<2x512x64xf32, #tpu.memory_space<vmem>> -> memref<1x512x64xf32, #tpu.memory_space<vmem>>
    %dma_start3A_443 = tpu.memref_squeeze %dma_start3A_442 : memref<1x512x64xf32, #tpu.memory_space<vmem>> -> memref<512x64xf32, #tpu.memory_space<vmem>>
    %dma_start3A_444 = arith.constant 0 : i32
    %dma_start3A_445 = arith.constant 0 : i32
    %dma_start3A_446 = tpu.memref_slice %dma_start3A_443[%dma_start3A_444, %dma_start3A_445] : memref<512x64xf32, #tpu.memory_space<vmem>> -> memref<256x64xf32, #tpu.memory_space<vmem>>
    %dma_start3A_447 = arith.constant 0 : i32
    %dma_start3A_448 = arith.constant 0 : i32
    %dma_start3A_449 = tpu.memref_slice %arg4[%min3A_439, %dma_start3A_447, %dma_start3A_448] : memref<400x256x128xf32, #tpu.memory_space<hbm>> -> memref<1x256x128xf32, #tpu.memory_space<hbm>>
    %dma_start3A_450 = tpu.memref_squeeze %dma_start3A_449 : memref<1x256x128xf32, #tpu.memory_space<hbm>> -> memref<256x128xf32, #tpu.memory_space<hbm>>
    %dma_start3A_451 = arith.constant 0 : i32
    %dma_start3A_452 = arith.constant 0 : i32
    %dma_start3A_453 = tpu.memref_slice %dma_start3A_450[%dma_start3A_451, %dma_start3A_452] : memref<256x128xf32, #tpu.memory_space<hbm>> -> memref<256x64xf32, #tpu.memory_space<hbm>>
    %dma_start3A_454 = arith.constant 0 : i32
    %dma_start3A_455 = arith.constant 0 : i32
    %dma_start3A_456 = tpu.memref_slice %arg4[%min3A_439, %dma_start3A_454, %dma_start3A_455] : memref<400x256x128xf32, #tpu.memory_space<hbm>> -> memref<1x256x128xf32, #tpu.memory_space<hbm>>
    %dma_start3A_457 = tpu.memref_squeeze %dma_start3A_456 : memref<1x256x128xf32, #tpu.memory_space<hbm>> -> memref<256x128xf32, #tpu.memory_space<hbm>>
    %dma_start3A_458 = arith.constant 0 : i32
    %dma_start3A_459 = arith.constant 0 : i32
    %dma_start3A_460 = tpu.memref_slice %dma_start3A_457[%dma_start3A_458, %dma_start3A_459] : memref<256x128xf32, #tpu.memory_space<hbm>> -> memref<256x64xf32, #tpu.memory_space<hbm>>
    %dma_start3A_461 = arith.constant 0 : i32
    %dma_start3A_462 = arith.constant 0 : i32
    %dma_start3A_463 = tpu.memref_slice %arg6[%rem3A_435, %dma_start3A_461, %dma_start3A_462] : memref<2x512x64xf32, #tpu.memory_space<vmem>> -> memref<1x512x64xf32, #tpu.memory_space<vmem>>
    %dma_start3A_464 = tpu.memref_squeeze %dma_start3A_463 : memref<1x512x64xf32, #tpu.memory_space<vmem>> -> memref<512x64xf32, #tpu.memory_space<vmem>>
    %dma_start3A_465 = arith.constant 0 : i32
    %dma_start3A_466 = arith.constant 0 : i32
    %dma_start3A_467 = tpu.memref_slice %dma_start3A_464[%dma_start3A_465, %dma_start3A_466] : memref<512x64xf32, #tpu.memory_space<vmem>> -> memref<256x64xf32, #tpu.memory_space<vmem>>
    tpu.enqueue_dma source(%dma_start3A_467 : memref<256x64xf32, #tpu.memory_space<vmem>>) target(%dma_start3A_460 : memref<256x64xf32, #tpu.memory_space<hbm>>) target_semaphore(%arg8 : memref<!tpu.dma_semaphore, #tpu.memory_space<semaphore_mem>>)
    %dma_start3A_468 = arith.constant 0 : i32
    %dma_start3A_469 = arith.constant 0 : i32
    %dma_start3A_470 = tpu.memref_slice %arg6[%rem3A_435, %dma_start3A_468, %dma_start3A_469] : memref<2x512x64xf32, #tpu.memory_space<vmem>> -> memref<1x512x64xf32, #tpu.memory_space<vmem>>
    %dma_start3A_471 = tpu.memref_squeeze %dma_start3A_470 : memref<1x512x64xf32, #tpu.memory_space<vmem>> -> memref<512x64xf32, #tpu.memory_space<vmem>>
    %dma_start3A_472 = arith.constant 256 : i32
    %dma_start3A_473 = arith.constant 0 : i32
    %dma_start3A_474 = tpu.memref_slice %dma_start3A_471[%dma_start3A_472, %dma_start3A_473] : memref<512x64xf32, #tpu.memory_space<vmem>> -> memref<256x64xf32, #tpu.memory_space<vmem>>
    %dma_start3A_475 = arith.constant 0 : i32
    %dma_start3A_476 = arith.constant 0 : i32
    %dma_start3A_477 = tpu.memref_slice %arg4[%min3A_439, %dma_start3A_475, %dma_start3A_476] : memref<400x256x128xf32, #tpu.memory_space<hbm>> -> memref<1x256x128xf32, #tpu.memory_space<hbm>>
    %dma_start3A_478 = tpu.memref_squeeze %dma_start3A_477 : memref<1x256x128xf32, #tpu.memory_space<hbm>> -> memref<256x128xf32, #tpu.memory_space<hbm>>
    %dma_start3A_479 = arith.constant 0 : i32
    %dma_start3A_480 = arith.constant 64 : i32
    %dma_start3A_481 = tpu.memref_slice %dma_start3A_478[%dma_start3A_479, %dma_start3A_480] : memref<256x128xf32, #tpu.memory_space<hbm>> -> memref<256x64xf32, #tpu.memory_space<hbm>>
    %dma_start3A_482 = arith.constant 0 : i32
    %dma_start3A_483 = arith.constant 0 : i32
    %dma_start3A_484 = tpu.memref_slice %arg4[%min3A_439, %dma_start3A_482, %dma_start3A_483] : memref<400x256x128xf32, #tpu.memory_space<hbm>> -> memref<1x256x128xf32, #tpu.memory_space<hbm>>
    %dma_start3A_485 = tpu.memref_squeeze %dma_start3A_484 : memref<1x256x128xf32, #tpu.memory_space<hbm>> -> memref<256x128xf32, #tpu.memory_space<hbm>>
    %dma_start3A_486 = arith.constant 0 : i32
    %dma_start3A_487 = arith.constant 64 : i32
    %dma_start3A_488 = tpu.memref_slice %dma_start3A_485[%dma_start3A_486, %dma_start3A_487] : memref<256x128xf32, #tpu.memory_space<hbm>> -> memref<256x64xf32, #tpu.memory_space<hbm>>
    %dma_start3A_489 = arith.constant 0 : i32
    %dma_start3A_490 = arith.constant 0 : i32
    %dma_start3A_491 = tpu.memref_slice %arg6[%rem3A_435, %dma_start3A_489, %dma_start3A_490] : memref<2x512x64xf32, #tpu.memory_space<vmem>> -> memref<1x512x64xf32, #tpu.memory_space<vmem>>
    %dma_start3A_492 = tpu.memref_squeeze %dma_start3A_491 : memref<1x512x64xf32, #tpu.memory_space<vmem>> -> memref<512x64xf32, #tpu.memory_space<vmem>>
    %dma_start3A_493 = arith.constant 256 : i32
    %dma_start3A_494 = arith.constant 0 : i32
    %dma_start3A_495 = tpu.memref_slice %dma_start3A_492[%dma_start3A_493, %dma_start3A_494] : memref<512x64xf32, #tpu.memory_space<vmem>> -> memref<256x64xf32, #tpu.memory_space<vmem>>
    tpu.enqueue_dma source(%dma_start3A_495 : memref<256x64xf32, #tpu.memory_space<vmem>>) target(%dma_start3A_488 : memref<256x64xf32, #tpu.memory_space<hbm>>) target_semaphore(%arg8 : memref<!tpu.dma_semaphore, #tpu.memory_space<semaphore_mem>>)
    %rem3A_496 = arith.constant 12 : i32
    %rem3A_497 = arith.constant 2 : i32
    %rem3A_498 = arith.remsi %rem3A_496, %rem3A_497 : i32
    %dma_wait3A_499 = arith.constant 0 : i32
    %dma_wait3A_500 = arith.constant 0 : i32
    %dma_wait3A_501 = tpu.memref_slice %arg6[%rem3A_498, %dma_wait3A_499, %dma_wait3A_500] : memref<2x512x64xf32, #tpu.memory_space<vmem>> -> memref<1x512x64xf32, #tpu.memory_space<vmem>>
    %dma_wait3A_502 = tpu.memref_squeeze %dma_wait3A_501 : memref<1x512x64xf32, #tpu.memory_space<vmem>> -> memref<512x64xf32, #tpu.memory_space<vmem>>
    %dma_wait3A_503 = arith.constant 0 : i32
    %dma_wait3A_504 = arith.constant 0 : i32
    %dma_wait3A_505 = tpu.memref_slice %dma_wait3A_502[%dma_wait3A_503, %dma_wait3A_504] : memref<512x64xf32, #tpu.memory_space<vmem>> -> memref<256x64xf32, #tpu.memory_space<vmem>>
    %dma_wait3A_506 = arith.constant 0 : i32
    %dma_wait3A_507 = arith.constant 0 : i32
    %dma_wait3A_508 = tpu.memref_slice %arg2[%dma_wait3A_506, %dma_wait3A_507] : memref<114688x64xf32, #tpu.memory_space<hbm>> -> memref<256x64xf32, #tpu.memory_space<hbm>>
    %dma_wait3A_509 = arith.constant 0 : i32
    %dma_wait3A_510 = arith.constant 0 : i32
    %dma_wait3A_511 = tpu.memref_slice %arg6[%rem3A_498, %dma_wait3A_509, %dma_wait3A_510] : memref<2x512x64xf32, #tpu.memory_space<vmem>> -> memref<1x512x64xf32, #tpu.memory_space<vmem>>
    %dma_wait3A_512 = tpu.memref_squeeze %dma_wait3A_511 : memref<1x512x64xf32, #tpu.memory_space<vmem>> -> memref<512x64xf32, #tpu.memory_space<vmem>>
    %dma_wait3A_513 = arith.constant 0 : i32
    %dma_wait3A_514 = arith.constant 0 : i32
    %dma_wait3A_515 = tpu.memref_slice %dma_wait3A_512[%dma_wait3A_513, %dma_wait3A_514] : memref<512x64xf32, #tpu.memory_space<vmem>> -> memref<256x64xf32, #tpu.memory_space<vmem>>
    %dma_wait3A_516 = arith.constant 0 : i32
    %dma_wait3A_517 = arith.constant 0 : i32
    %dma_wait3A_518 = tpu.memref_slice %arg2[%dma_wait3A_516, %dma_wait3A_517] : memref<114688x64xf32, #tpu.memory_space<hbm>> -> memref<256x64xf32, #tpu.memory_space<hbm>>
    tpu.wait_dma2 semaphore(%arg8 : memref<!tpu.dma_semaphore, #tpu.memory_space<semaphore_mem>>) src(%dma_wait3A_518 : memref<256x64xf32, #tpu.memory_space<hbm>>) dst(%dma_wait3A_515 : memref<256x64xf32, #tpu.memory_space<vmem>>)
    %dma_wait3A_519 = arith.constant 0 : i32
    %dma_wait3A_520 = arith.constant 0 : i32
    %dma_wait3A_521 = tpu.memref_slice %arg6[%rem3A_498, %dma_wait3A_519, %dma_wait3A_520] : memref<2x512x64xf32, #tpu.memory_space<vmem>> -> memref<1x512x64xf32, #tpu.memory_space<vmem>>
    %dma_wait3A_522 = tpu.memref_squeeze %dma_wait3A_521 : memref<1x512x64xf32, #tpu.memory_space<vmem>> -> memref<512x64xf32, #tpu.memory_space<vmem>>
    %dma_wait3A_523 = arith.constant 256 : i32
    %dma_wait3A_524 = arith.constant 0 : i32
    %dma_wait3A_525 = tpu.memref_slice %dma_wait3A_522[%dma_wait3A_523, %dma_wait3A_524] : memref<512x64xf32, #tpu.memory_space<vmem>> -> memref<256x64xf32, #tpu.memory_space<vmem>>
    %dma_wait3A_526 = arith.constant 0 : i32
    %dma_wait3A_527 = arith.constant 0 : i32
    %dma_wait3A_528 = tpu.memref_slice %arg2[%dma_wait3A_526, %dma_wait3A_527] : memref<114688x64xf32, #tpu.memory_space<hbm>> -> memref<256x64xf32, #tpu.memory_space<hbm>>
    %dma_wait3A_529 = arith.constant 0 : i32
    %dma_wait3A_530 = arith.constant 0 : i32
    %dma_wait3A_531 = tpu.memref_slice %arg6[%rem3A_498, %dma_wait3A_529, %dma_wait3A_530] : memref<2x512x64xf32, #tpu.memory_space<vmem>> -> memref<1x512x64xf32, #tpu.memory_space<vmem>>
    %dma_wait3A_532 = tpu.memref_squeeze %dma_wait3A_531 : memref<1x512x64xf32, #tpu.memory_space<vmem>> -> memref<512x64xf32, #tpu.memory_space<vmem>>
    %dma_wait3A_533 = arith.constant 256 : i32
    %dma_wait3A_534 = arith.constant 0 : i32
    %dma_wait3A_535 = tpu.memref_slice %dma_wait3A_532[%dma_wait3A_533, %dma_wait3A_534] : memref<512x64xf32, #tpu.memory_space<vmem>> -> memref<256x64xf32, #tpu.memory_space<vmem>>
    %dma_wait3A_536 = arith.constant 0 : i32
    %dma_wait3A_537 = arith.constant 0 : i32
    %dma_wait3A_538 = tpu.memref_slice %arg2[%dma_wait3A_536, %dma_wait3A_537] : memref<114688x64xf32, #tpu.memory_space<hbm>> -> memref<256x64xf32, #tpu.memory_space<hbm>>
    tpu.wait_dma2 semaphore(%arg8 : memref<!tpu.dma_semaphore, #tpu.memory_space<semaphore_mem>>) src(%dma_wait3A_538 : memref<256x64xf32, #tpu.memory_space<hbm>>) dst(%dma_wait3A_535 : memref<256x64xf32, #tpu.memory_space<vmem>>)
    return
  }
}

module attributes {stable_mosaic.version = 14 : i64} {
  func.func @_fuse_body(%arg0: i32, %arg1: memref<64x16384xf32, #tpu.memory_space<vmem>>, %arg2: memref<8x16384xf32, #tpu.memory_space<vmem>>, %arg3: memref<8x64xf32, #tpu.memory_space<vmem>>, %arg4: memref<8192x128xf32, #tpu.memory_space<vmem>>) attributes {dimension_semantics = [#tpu.dimension_semantics<arbitrary>], iteration_bounds = array<i64: 7>, scalar_prefetch = 0 : i64, scratch_operands = 0 : i64, tpu.core_type = #tpu.core_type<tc>, window_params = [{transform_indices = @transform_0, window_bounds = array<i64: 64, 16384>}, {transform_indices = @transform_1, window_bounds = array<i64: 8, 16384>}, {pipeline_mode = #tpu.pipeline_mode<synchronous>, transform_indices = @transform_2, window_bounds = array<i64: 8, 64>}, {transform_indices = @transform_3, window_bounds = array<i64: 8192, 128>}]} {
    %get3A = arith.constant 0 : index
    %get3A_0 = arith.constant 0 : index
    %get3A_1 = vector.load %arg1[%get3A, %get3A_0] : memref<64x16384xf32, #tpu.memory_space<vmem>>, vector<64x16384xf32>
    %get3A_2 = arith.constant 0 : index
    %get3A_3 = arith.constant 0 : index
    %get3A_4 = vector.load %arg3[%get3A_2, %get3A_3] : memref<8x64xf32, #tpu.memory_space<vmem>>, vector<8x64xf32>
    %transpose3A = tpu.transpose %get3A_4, [1, 0] : vector<8x64xf32> -> vector<64x8xf32>
    %get3A_5 = arith.constant 0 : index
    %get3A_6 = arith.constant 0 : index
    %get3A_7 = vector.load %arg2[%get3A_5, %get3A_6] : memref<8x16384xf32, #tpu.memory_space<vmem>>, vector<8x16384xf32>
    %dot_general3A = arith.constant dense<0.000000e+00> : vector<64x16384xf32>
    %dot_general3A_8 = tpu.matmul %transpose3A, %get3A_7, %dot_general3A {dimension_numbers = #tpu.dot_dimension_numbers<[1], [0], [0], [1], [0, 0, 1, 1], [], []>, transpose_lhs_hint = false} : vector<64x8xf32>, vector<8x16384xf32>, vector<64x16384xf32> -> vector<64x16384xf32>
    %add3A = arith.addf %get3A_1, %dot_general3A_8 : vector<64x16384xf32>
    %slice3A = vector.extract_strided_slice %add3A {offsets = [0, 0], sizes = [64, 8192], strides = [1, 1]} : vector<64x16384xf32> to vector<64x8192xf32>
    %slice3A_9 = vector.extract_strided_slice %add3A {offsets = [0, 8192], sizes = [64, 8192], strides = [1, 1]} : vector<64x16384xf32> to vector<64x8192xf32>
    %concatenate3A = tpu.concatenate %slice3A, %slice3A_9 in 0 : vector<64x8192xf32>, vector<64x8192xf32> -> vector<128x8192xf32>
    %transpose3A_10 = tpu.transpose %concatenate3A, [1, 0] : vector<128x8192xf32> -> vector<8192x128xf32>
    %swap3A = arith.constant 0 : index
    %swap3A_11 = arith.constant 0 : index
    %swap3A_12 = vector.load %arg4[%swap3A, %swap3A_11] : memref<8192x128xf32, #tpu.memory_space<vmem>>, vector<8192x128xf32>
    tpu.vector_store %arg4[%swap3A, %swap3A_11], %transpose3A_10 {strides = array<i32>} : memref<8192x128xf32, #tpu.memory_space<vmem>>, vector<8192x128xf32>,
    return
  }
  func.func @transform_0(%arg0: i32) -> (i32, i32) {
    %c0_i32 = arith.constant 0 : i32
    %c0_i32_0 = arith.constant 0 : i32
    return %c0_i32, %arg0 : i32, i32
  }
  func.func @transform_1(%arg0: i32) -> (i32, i32) {
    %c0_i32 = arith.constant 0 : i32
    %c0_i32_0 = arith.constant 0 : i32
    return %c0_i32, %arg0 : i32, i32
  }
  func.func @transform_2(%arg0: i32) -> (i32, i32) {
    %c0_i32 = arith.constant 0 : i32
    %c0_i32_0 = arith.constant 0 : i32
    %c0_i32_1 = arith.constant 0 : i32
    return %c0_i32, %c0_i32_0 : i32, i32
  }
  func.func @transform_3(%arg0: i32) -> (i32, i32) {
    %c0_i32 = arith.constant 0 : i32
    %c0_i32_0 = arith.constant 0 : i32
    return %arg0, %c0_i32 : i32, i32
  }
}

module attributes {stable_mosaic.version = 14 : i64} {
  func.func @_xpose_body(%arg0: i32, %arg1: memref<5x2048x128xf32, #tpu.memory_space<vmem>>, %arg2: memref<5x64x4096xf32, #tpu.memory_space<vmem>>) attributes {dimension_semantics = [#tpu.dimension_semantics<arbitrary>], iteration_bounds = array<i64: 10>, scalar_prefetch = 0 : i64, scratch_operands = 0 : i64, tpu.core_type = #tpu.core_type<tc>, window_params = [{transform_indices = @transform_0, window_bounds = array<i64: 5, 2048, 128>}, {transform_indices = @transform_1, window_bounds = array<i64: 5, 64, 4096>}]} {
    %get3A = arith.constant 0 : index
    %get3A_0 = arith.constant 0 : index
    %get3A_1 = arith.constant 0 : index
    %get3A_2 = vector.load %arg1[%get3A, %get3A_0, %get3A_1] : memref<5x2048x128xf32, #tpu.memory_space<vmem>>, vector<1x2048x128xf32>
    %get3A_3 = vector.shape_cast %get3A_2 : vector<1x2048x128xf32> to vector<2048x128xf32>
    %slice3A = vector.extract_strided_slice %get3A_3 {offsets = [0, 0], sizes = [1024, 128], strides = [1, 1]} : vector<2048x128xf32> to vector<1024x128xf32>
    %transpose3A = tpu.transpose %slice3A, [1, 0] : vector<1024x128xf32> -> vector<128x1024xf32>
    %slice3A_4 = vector.extract_strided_slice %get3A_3 {offsets = [1024, 0], sizes = [1024, 128], strides = [1, 1]} : vector<2048x128xf32> to vector<1024x128xf32>
    %transpose3A_5 = tpu.transpose %slice3A_4, [1, 0] : vector<1024x128xf32> -> vector<128x1024xf32>
    %slice3A_6 = vector.extract_strided_slice %transpose3A {offsets = [0, 0], sizes = [64, 1024], strides = [1, 1]} : vector<128x1024xf32> to vector<64x1024xf32>
    %slice3A_7 = vector.extract_strided_slice %transpose3A {offsets = [64, 0], sizes = [64, 1024], strides = [1, 1]} : vector<128x1024xf32> to vector<64x1024xf32>
    %slice3A_8 = vector.extract_strided_slice %transpose3A_5 {offsets = [0, 0], sizes = [64, 1024], strides = [1, 1]} : vector<128x1024xf32> to vector<64x1024xf32>
    %slice3A_9 = vector.extract_strided_slice %transpose3A_5 {offsets = [64, 0], sizes = [64, 1024], strides = [1, 1]} : vector<128x1024xf32> to vector<64x1024xf32>
    %concatenate3A = tpu.concatenate %slice3A_6, %slice3A_7, %slice3A_8, %slice3A_9 in 1 : vector<64x1024xf32>, vector<64x1024xf32>, vector<64x1024xf32>, vector<64x1024xf32> -> vector<64x4096xf32>
    %swap3A = arith.constant 0 : index
    %swap3A_10 = arith.constant 0 : index
    %swap3A_11 = arith.constant 0 : index
    %swap3A_12 = vector.load %arg2[%swap3A, %swap3A_10, %swap3A_11] : memref<5x64x4096xf32, #tpu.memory_space<vmem>>, vector<1x64x4096xf32>
    %swap3A_13 = vector.shape_cast %swap3A_12 : vector<1x64x4096xf32> to vector<64x4096xf32>
    %swap3A_14 = vector.shape_cast %concatenate3A : vector<64x4096xf32> to vector<1x64x4096xf32>
    tpu.vector_store %arg2[%swap3A, %swap3A_10, %swap3A_11], %swap3A_14 {strides = array<i32>} : memref<5x64x4096xf32, #tpu.memory_space<vmem>>, vector<1x64x4096xf32>,
    %get3A_15 = arith.constant 1 : index
    %get3A_16 = arith.constant 0 : index
    %get3A_17 = arith.constant 0 : index
    %get3A_18 = vector.load %arg1[%get3A_15, %get3A_16, %get3A_17] : memref<5x2048x128xf32, #tpu.memory_space<vmem>>, vector<1x2048x128xf32>
    %get3A_19 = vector.shape_cast %get3A_18 : vector<1x2048x128xf32> to vector<2048x128xf32>
    %slice3A_20 = vector.extract_strided_slice %get3A_19 {offsets = [0, 0], sizes = [1024, 128], strides = [1, 1]} : vector<2048x128xf32> to vector<1024x128xf32>
    %transpose3A_21 = tpu.transpose %slice3A_20, [1, 0] : vector<1024x128xf32> -> vector<128x1024xf32>
    %slice3A_22 = vector.extract_strided_slice %get3A_19 {offsets = [1024, 0], sizes = [1024, 128], strides = [1, 1]} : vector<2048x128xf32> to vector<1024x128xf32>
    %transpose3A_23 = tpu.transpose %slice3A_22, [1, 0] : vector<1024x128xf32> -> vector<128x1024xf32>
    %slice3A_24 = vector.extract_strided_slice %transpose3A_21 {offsets = [0, 0], sizes = [64, 1024], strides = [1, 1]} : vector<128x1024xf32> to vector<64x1024xf32>
    %slice3A_25 = vector.extract_strided_slice %transpose3A_21 {offsets = [64, 0], sizes = [64, 1024], strides = [1, 1]} : vector<128x1024xf32> to vector<64x1024xf32>
    %slice3A_26 = vector.extract_strided_slice %transpose3A_23 {offsets = [0, 0], sizes = [64, 1024], strides = [1, 1]} : vector<128x1024xf32> to vector<64x1024xf32>
    %slice3A_27 = vector.extract_strided_slice %transpose3A_23 {offsets = [64, 0], sizes = [64, 1024], strides = [1, 1]} : vector<128x1024xf32> to vector<64x1024xf32>
    %concatenate3A_28 = tpu.concatenate %slice3A_24, %slice3A_25, %slice3A_26, %slice3A_27 in 1 : vector<64x1024xf32>, vector<64x1024xf32>, vector<64x1024xf32>, vector<64x1024xf32> -> vector<64x4096xf32>
    %swap3A_29 = arith.constant 1 : index
    %swap3A_30 = arith.constant 0 : index
    %swap3A_31 = arith.constant 0 : index
    %swap3A_32 = vector.load %arg2[%swap3A_29, %swap3A_30, %swap3A_31] : memref<5x64x4096xf32, #tpu.memory_space<vmem>>, vector<1x64x4096xf32>
    %swap3A_33 = vector.shape_cast %swap3A_32 : vector<1x64x4096xf32> to vector<64x4096xf32>
    %swap3A_34 = vector.shape_cast %concatenate3A_28 : vector<64x4096xf32> to vector<1x64x4096xf32>
    tpu.vector_store %arg2[%swap3A_29, %swap3A_30, %swap3A_31], %swap3A_34 {strides = array<i32>} : memref<5x64x4096xf32, #tpu.memory_space<vmem>>, vector<1x64x4096xf32>,
    %get3A_35 = arith.constant 2 : index
    %get3A_36 = arith.constant 0 : index
    %get3A_37 = arith.constant 0 : index
    %get3A_38 = vector.load %arg1[%get3A_35, %get3A_36, %get3A_37] : memref<5x2048x128xf32, #tpu.memory_space<vmem>>, vector<1x2048x128xf32>
    %get3A_39 = vector.shape_cast %get3A_38 : vector<1x2048x128xf32> to vector<2048x128xf32>
    %slice3A_40 = vector.extract_strided_slice %get3A_39 {offsets = [0, 0], sizes = [1024, 128], strides = [1, 1]} : vector<2048x128xf32> to vector<1024x128xf32>
    %transpose3A_41 = tpu.transpose %slice3A_40, [1, 0] : vector<1024x128xf32> -> vector<128x1024xf32>
    %slice3A_42 = vector.extract_strided_slice %get3A_39 {offsets = [1024, 0], sizes = [1024, 128], strides = [1, 1]} : vector<2048x128xf32> to vector<1024x128xf32>
    %transpose3A_43 = tpu.transpose %slice3A_42, [1, 0] : vector<1024x128xf32> -> vector<128x1024xf32>
    %slice3A_44 = vector.extract_strided_slice %transpose3A_41 {offsets = [0, 0], sizes = [64, 1024], strides = [1, 1]} : vector<128x1024xf32> to vector<64x1024xf32>
    %slice3A_45 = vector.extract_strided_slice %transpose3A_41 {offsets = [64, 0], sizes = [64, 1024], strides = [1, 1]} : vector<128x1024xf32> to vector<64x1024xf32>
    %slice3A_46 = vector.extract_strided_slice %transpose3A_43 {offsets = [0, 0], sizes = [64, 1024], strides = [1, 1]} : vector<128x1024xf32> to vector<64x1024xf32>
    %slice3A_47 = vector.extract_strided_slice %transpose3A_43 {offsets = [64, 0], sizes = [64, 1024], strides = [1, 1]} : vector<128x1024xf32> to vector<64x1024xf32>
    %concatenate3A_48 = tpu.concatenate %slice3A_44, %slice3A_45, %slice3A_46, %slice3A_47 in 1 : vector<64x1024xf32>, vector<64x1024xf32>, vector<64x1024xf32>, vector<64x1024xf32> -> vector<64x4096xf32>
    %swap3A_49 = arith.constant 2 : index
    %swap3A_50 = arith.constant 0 : index
    %swap3A_51 = arith.constant 0 : index
    %swap3A_52 = vector.load %arg2[%swap3A_49, %swap3A_50, %swap3A_51] : memref<5x64x4096xf32, #tpu.memory_space<vmem>>, vector<1x64x4096xf32>
    %swap3A_53 = vector.shape_cast %swap3A_52 : vector<1x64x4096xf32> to vector<64x4096xf32>
    %swap3A_54 = vector.shape_cast %concatenate3A_48 : vector<64x4096xf32> to vector<1x64x4096xf32>
    tpu.vector_store %arg2[%swap3A_49, %swap3A_50, %swap3A_51], %swap3A_54 {strides = array<i32>} : memref<5x64x4096xf32, #tpu.memory_space<vmem>>, vector<1x64x4096xf32>,
    %get3A_55 = arith.constant 3 : index
    %get3A_56 = arith.constant 0 : index
    %get3A_57 = arith.constant 0 : index
    %get3A_58 = vector.load %arg1[%get3A_55, %get3A_56, %get3A_57] : memref<5x2048x128xf32, #tpu.memory_space<vmem>>, vector<1x2048x128xf32>
    %get3A_59 = vector.shape_cast %get3A_58 : vector<1x2048x128xf32> to vector<2048x128xf32>
    %slice3A_60 = vector.extract_strided_slice %get3A_59 {offsets = [0, 0], sizes = [1024, 128], strides = [1, 1]} : vector<2048x128xf32> to vector<1024x128xf32>
    %transpose3A_61 = tpu.transpose %slice3A_60, [1, 0] : vector<1024x128xf32> -> vector<128x1024xf32>
    %slice3A_62 = vector.extract_strided_slice %get3A_59 {offsets = [1024, 0], sizes = [1024, 128], strides = [1, 1]} : vector<2048x128xf32> to vector<1024x128xf32>
    %transpose3A_63 = tpu.transpose %slice3A_62, [1, 0] : vector<1024x128xf32> -> vector<128x1024xf32>
    %slice3A_64 = vector.extract_strided_slice %transpose3A_61 {offsets = [0, 0], sizes = [64, 1024], strides = [1, 1]} : vector<128x1024xf32> to vector<64x1024xf32>
    %slice3A_65 = vector.extract_strided_slice %transpose3A_61 {offsets = [64, 0], sizes = [64, 1024], strides = [1, 1]} : vector<128x1024xf32> to vector<64x1024xf32>
    %slice3A_66 = vector.extract_strided_slice %transpose3A_63 {offsets = [0, 0], sizes = [64, 1024], strides = [1, 1]} : vector<128x1024xf32> to vector<64x1024xf32>
    %slice3A_67 = vector.extract_strided_slice %transpose3A_63 {offsets = [64, 0], sizes = [64, 1024], strides = [1, 1]} : vector<128x1024xf32> to vector<64x1024xf32>
    %concatenate3A_68 = tpu.concatenate %slice3A_64, %slice3A_65, %slice3A_66, %slice3A_67 in 1 : vector<64x1024xf32>, vector<64x1024xf32>, vector<64x1024xf32>, vector<64x1024xf32> -> vector<64x4096xf32>
    %swap3A_69 = arith.constant 3 : index
    %swap3A_70 = arith.constant 0 : index
    %swap3A_71 = arith.constant 0 : index
    %swap3A_72 = vector.load %arg2[%swap3A_69, %swap3A_70, %swap3A_71] : memref<5x64x4096xf32, #tpu.memory_space<vmem>>, vector<1x64x4096xf32>
    %swap3A_73 = vector.shape_cast %swap3A_72 : vector<1x64x4096xf32> to vector<64x4096xf32>
    %swap3A_74 = vector.shape_cast %concatenate3A_68 : vector<64x4096xf32> to vector<1x64x4096xf32>
    tpu.vector_store %arg2[%swap3A_69, %swap3A_70, %swap3A_71], %swap3A_74 {strides = array<i32>} : memref<5x64x4096xf32, #tpu.memory_space<vmem>>, vector<1x64x4096xf32>,
    %get3A_75 = arith.constant 4 : index
    %get3A_76 = arith.constant 0 : index
    %get3A_77 = arith.constant 0 : index
    %get3A_78 = vector.load %arg1[%get3A_75, %get3A_76, %get3A_77] : memref<5x2048x128xf32, #tpu.memory_space<vmem>>, vector<1x2048x128xf32>
    %get3A_79 = vector.shape_cast %get3A_78 : vector<1x2048x128xf32> to vector<2048x128xf32>
    %slice3A_80 = vector.extract_strided_slice %get3A_79 {offsets = [0, 0], sizes = [1024, 128], strides = [1, 1]} : vector<2048x128xf32> to vector<1024x128xf32>
    %transpose3A_81 = tpu.transpose %slice3A_80, [1, 0] : vector<1024x128xf32> -> vector<128x1024xf32>
    %slice3A_82 = vector.extract_strided_slice %get3A_79 {offsets = [1024, 0], sizes = [1024, 128], strides = [1, 1]} : vector<2048x128xf32> to vector<1024x128xf32>
    %transpose3A_83 = tpu.transpose %slice3A_82, [1, 0] : vector<1024x128xf32> -> vector<128x1024xf32>
    %slice3A_84 = vector.extract_strided_slice %transpose3A_81 {offsets = [0, 0], sizes = [64, 1024], strides = [1, 1]} : vector<128x1024xf32> to vector<64x1024xf32>
    %slice3A_85 = vector.extract_strided_slice %transpose3A_81 {offsets = [64, 0], sizes = [64, 1024], strides = [1, 1]} : vector<128x1024xf32> to vector<64x1024xf32>
    %slice3A_86 = vector.extract_strided_slice %transpose3A_83 {offsets = [0, 0], sizes = [64, 1024], strides = [1, 1]} : vector<128x1024xf32> to vector<64x1024xf32>
    %slice3A_87 = vector.extract_strided_slice %transpose3A_83 {offsets = [64, 0], sizes = [64, 1024], strides = [1, 1]} : vector<128x1024xf32> to vector<64x1024xf32>
    %concatenate3A_88 = tpu.concatenate %slice3A_84, %slice3A_85, %slice3A_86, %slice3A_87 in 1 : vector<64x1024xf32>, vector<64x1024xf32>, vector<64x1024xf32>, vector<64x1024xf32> -> vector<64x4096xf32>
    %swap3A_89 = arith.constant 4 : index
    %swap3A_90 = arith.constant 0 : index
    %swap3A_91 = arith.constant 0 : index
    %swap3A_92 = vector.load %arg2[%swap3A_89, %swap3A_90, %swap3A_91] : memref<5x64x4096xf32, #tpu.memory_space<vmem>>, vector<1x64x4096xf32>
    %swap3A_93 = vector.shape_cast %swap3A_92 : vector<1x64x4096xf32> to vector<64x4096xf32>
    %swap3A_94 = vector.shape_cast %concatenate3A_88 : vector<64x4096xf32> to vector<1x64x4096xf32>
    tpu.vector_store %arg2[%swap3A_89, %swap3A_90, %swap3A_91], %swap3A_94 {strides = array<i32>} : memref<5x64x4096xf32, #tpu.memory_space<vmem>>, vector<1x64x4096xf32>,
    return
  }
  func.func @transform_0(%arg0: i32) -> (i32, i32, i32) {
    %c0_i32 = arith.constant 0 : i32
    %c0_i32_0 = arith.constant 0 : i32
    %c0_i32_1 = arith.constant 0 : i32
    return %arg0, %c0_i32, %c0_i32_0 : i32, i32, i32
  }
  func.func @transform_1(%arg0: i32) -> (i32, i32, i32) {
    %c0_i32 = arith.constant 0 : i32
    %c0_i32_0 = arith.constant 0 : i32
    %c0_i32_1 = arith.constant 0 : i32
    return %arg0, %c0_i32, %c0_i32_0 : i32, i32, i32
  }
}

</mosaic_0001>

<sc_bundles>
// kernel: kernel.5.cloned.1.call-start
scs
__scs_entry_jumppad:
0x0: {  	(pc) =	sbr.rel $0x88, $3  }
0x1: {  	(tag) =	ssettag $0x0;
	lr =	simm.s32 $0x1  }
0x2: {  	[smem:$0x3F9D] =	sst lr;
	_ =	strace $0xD0000000  }
0x3: {  	_ = 	snop  }
0x4: {  	_ = 	snop  }
0x5: {  	_ = 	snop  }
0x6: {  	_ = 	snop  }
0x7: {  	_ = 	snop  }
__scs_overlays_trampoline_lowered:
0x8: {  	[smem:$0x3FAC] =	sst s0  }
0x9: {  	[smem:$0x3FAD] =	sst s1  }
0xa: {  	[smem:$0x3FAE] =	sst s2  }
0xb: {  	[smem:$0x3FAF] =	sst s3  }
0xc: {  	[smem:$0x3FB0] =	sst s4  }
0xd: {  	[smem:$0x3FB1] =	sst s5  }
0xe: {  	[smem:$0x3FB2] =	sst s6  }
0xf: {  	[smem:$0x3FB3] =	sst s7  }
0x10: {  	[smem:$0x3FB4] =	sst s8  }
0x11: {  	[smem:$0x3FB5] =	sst s9;
	s0 =	simm.s32 @!p0 $0x0  }
0x12: {  	s1 =	sld [smem:$0x3F9B];
	s0 =	simm.s32 @p0 $0x1  }
0x13: {  	[smem:$0x3FB6] =	sst s0;
	s0 =	simm.s32 @!p1 $0x0  }
0x14: {  	s2 =	sld [smem:$0x3F9A];
	s0 =	simm.s32 @p1 $0x1  }
0x15: {  	[smem:$0x3FB7] =	sst s0;
	s0 =	simm.s32 @!p2 $0x0  }
0x16: {  	s3 =	sld [smem:$0x3FDB];
	s0 =	simm.s32 @p2 $0x1  }
0x17: {  	s4 =	simm.s32 $0x1BF5;
	[smem:$0x3FB9] =	sst s0  }
0x18: {  	s0 =	sld [smem:$0x3F9C];
	_ =	swait.ge [sflag:s4], $0x0  }
0x19: {  	s7 =	sld [smem:$0x3F9D]  }
0x1a: {  	s8 =	sadd.s32 $0xFFFFE003, lr  }
0x1b: {  	s9 =	sadd.s32 $0xFFFFFEF7, lr;
	s5 =	simm.s32 $0xFFFFFFFF;
	p2 =	slt.u32 s8, $0xFFFFF086  }
0x1c: {  	p1 =	slt.u32 s9, $0xF7A;
	s5 =	simm.s32 @!p2 $0x0  }
0x1d: {  	s5 =	simm.s32 @p1 $0x1;
	p0 =	seq.s32 s7, s2  }
0x1e: {  	s7 =	smul.u32 @!p0 $0xF7A, s2;
	p2 =	seq.s32 @!p0 s5, $0x0  }
0x1f: {  	s9 =	smul.u32 $0xF7A, s1;
	s8 =	simm.s32 @!p0 $0x1BF5;
	p2 =	por !p2, p0  }
0x20: {  	[sflag:s8] =	ssyncset.s32 @!p0 $0xFFFFF086;
	s6 =	sadd.s32 @!p0 s3, s7;
	s7 =	simm.s32 @!p0 $0x108  }
0x21: {  	s3 =	sadd.s32 s3, s9;
	s6 =	sadd.s32 @!p0 $0x88, s6;
	s7 =	simm.s32 @p2 $0x1082  }
0x22: {  	[simem:s7], [sflag:s8] =	dma.local @!p0 [hbm:s6], $0xF7A  }
0x23: {  	s9 =	sor.u32 $0xD0000000, s2;
	s6 =	simm.s32 $0x108;
	_ =	swait.ge @!p0 [sflag:s8], $0x0  }
0x24: {  	s3 =	sadd.s32 $0x88, s3;
	s6 =	simm.s32 @!p1 $0x1082;
	[sflag:s4] =	ssyncset.s32 $0xFFFFF086  }
0x25: {  	[simem:s6], [sflag:s4] =	dma.local [hbm:s3], $0xF7A  }
0x26: {  	[smem:$0x3F9D] =	sst s1;
	(tag) =	ssettag s2;
	_ =	strace s9  }
0x27: {  	s1 =	sld [smem:$0x3FAD]  }
0x28: {  	s2 =	sld [smem:$0x3FAE]  }
0x29: {  	s4 =	sld [smem:$0x3FB0]  }
0x2a: {  	p0 =	seq.s32 s5, $0x0;
	s5 =	sld [smem:$0x3FB1]  }
0x2b: {  	s6 =	sld [smem:$0x3FB2]  }
0x2c: {  	s7 =	sld [smem:$0x3FB3]  }
0x2d: {  	s3 =	simm.s32 $0x108;
	s8 =	sld [smem:$0x3FB4]  }
0x2e: {  	s3 =	simm.s32 @!p0 $0x1082;
	s9 =	sld [smem:$0x3FB5]  }
0x2f: {  	lr =	sadd.s32 s0, s3;
	s0 =	sld [smem:$0x3FAC]  }
0x30: {  	s3 =	sld [smem:$0x3FAF]  }
0x31: {  	[smem:$0x3FB8] =	sst s10  }
0x32: {  	s10 =	sld [smem:$0x3FB6];
	_ =	sdelay $0x3  }
0x33: {  	p0 =	seq.s32 s10, $0x1;
	s10 =	sld [smem:$0x3FB8];
	_ =	sdelay $0x3  }
0x34: {  	[smem:$0x3FB8] =	sst s10  }
0x35: {  	s10 =	sld [smem:$0x3FB7];
	_ =	sdelay $0x3  }
0x36: {  	p1 =	seq.s32 s10, $0x1;
	s10 =	sld [smem:$0x3FB8];
	_ =	sdelay $0x3  }
0x37: {  	[smem:$0x3FB8] =	sst s10  }
0x38: {  	s10 =	sld [smem:$0x3FB9]  }
0x39: {  	_ = 	snop;
	(pc) =	sbr.ind lr, $3  }
0x3a: {  	_ = 	snop  }
0x3b: {  	_ = 	snop  }
0x3c: {  	p2 =	seq.s32 s10, $0x1;
	s10 =	sld [smem:$0x3FB8]  }
0x3d: {  	_ =	shalt  }
0x3e: {  	_ =	shalt  }
0x3f: {  	_ =	shalt  }
0x40: {  	_ =	shalt  }
0x41: {  	_ =	shalt  }
0x42: {  	_ =	shalt  }
0x43: {  	_ =	shalt  }
0x44: {  	_ =	shalt  }
0x45: {  	_ =	shalt  }
0x46: {  	_ =	shalt  }
0x47: {  	_ =	shalt  }
0x48: {  	_ =	shalt  }
0x49: {  	_ =	shalt  }
0x4a: {  	_ =	shalt  }
0x4b: {  	_ =	shalt  }
0x4c: {  	_ =	shalt  }
0x4d: {  	_ =	shalt  }
0x4e: {  	_ =	shalt  }
0x4f: {  	_ =	shalt  }
0x50: {  	_ =	shalt  }
0x51: {  	_ =	shalt  }
0x52: {  	_ =	shalt  }
0x53: {  	_ =	shalt  }
0x54: {  	_ =	shalt  }
0x55: {  	_ =	shalt  }
0x56: {  	_ =	shalt  }
0x57: {  	_ =	shalt  }
0x58: {  	_ =	shalt  }
0x59: {  	_ =	shalt  }
0x5a: {  	_ =	shalt  }
0x5b: {  	_ =	shalt  }
0x5c: {  	_ =	shalt  }
0x5d: {  	_ =	shalt  }
0x5e: {  	_ =	shalt  }
0x5f: {  	_ =	shalt  }
0x60: {  	_ =	shalt  }
0x61: {  	_ =	shalt  }
0x62: {  	_ =	shalt  }
0x63: {  	_ =	shalt  }
0x64: {  	_ =	shalt  }
0x65: {  	_ =	shalt  }
0x66: {  	_ =	shalt  }
0x67: {  	_ =	shalt  }
0x68: {  	_ =	shalt  }
0x69: {  	_ =	shalt  }
0x6a: {  	_ =	shalt  }
0x6b: {  	_ =	shalt  }
0x6c: {  	_ =	shalt  }
0x6d: {  	_ =	shalt  }
0x6e: {  	_ =	shalt  }
0x6f: {  	_ =	shalt  }
0x70: {  	_ =	shalt  }
0x71: {  	_ =	shalt  }
0x72: {  	_ =	shalt  }
0x73: {  	_ =	shalt  }
0x74: {  	_ =	shalt  }
0x75: {  	_ =	shalt  }
0x76: {  	_ =	shalt  }
0x77: {  	_ =	shalt  }
0x78: {  	_ =	shalt  }
0x79: {  	_ =	shalt  }
0x7a: {  	_ =	shalt  }
0x7b: {  	_ =	shalt  }
0x7c: {  	_ =	shalt  }
0x7d: {  	_ =	shalt  }
0x7e: {  	_ =	shalt  }
0x7f: {  	_ =	shalt  }
0x80: {  	_ =	shalt  }
0x81: {  	_ =	shalt  }
0x82: {  	_ =	shalt  }
0x83: {  	_ =	shalt  }
0x84: {  	_ =	shalt  }
0x85: {  	_ =	shalt  }
0x86: {  	_ =	shalt  }
0x87: {  	_ =	shalt  }
.Lfunc_end0:
.L_simem_size_0:
called_computation_lowered:
.L_overlay_start_0:
0x88: {  	s2 =	sld [smem:$0x3FD9]  }
0x89: {  	s3 =	sld [smem:$0x3FFE];
	_ =	sdelay $0x1  }
0x8a: {  	s1 =	srdreg.scid  }
0x8b: {  	s0 =	sand.u32 $0x1, s1  }
0x8c: {  	s17 =	sshll.u32 s0, $0xA;
	s2 =	sadd.s32 s3, s2  }
0x8d: {  	s2 =	sadd.s32 s2, s17  }
0x8e: {  	[smem:$0x3FC4] =	sst s2  }
0x8f: {  	_ = 	snop  }
0x90: {  	s2 =	sld [smem:$0x3FD0];
	(tm) =	ssettm $0x1  }
0x91: {  	s18 =	sld [smem:$0x3FFB];
	_ =	sdelay $0x3  }
0x92: {  	_ =	strace s18  }
0x93: {  	s3 =	sld [smem:$0x3FFC];
	_ =	sdelay $0x3  }
0x94: {  	_ =	strace s3  }
0x95: {  	s3 =	sld [smem:$0x3FFD];
	_ =	sdelay $0x3  }
0x96: {  	_ =	strace s3  }
0x97: {  	_ =	strace $0x8FFFFFFF  }
0x98: {  	s19 =	sld [smem:$0x3FDB];
	_ =	sdelay $0x1  }
0x99: {  	s4 =	simm.s32 $_scs_section_size  }
0x9a: {  	s5 =	simm.s32 $_size__tile_overlayer_lowered;
	s6 =	simm.s32 $_tile_overlayer_lowered  }
0x9b: {  	s22 =	simm.s32 $0x1BFF;
	s21 =	sshll.u32 s6, $0x1;
	s3 =	sadd.s32 s4, s19  }
0x9c: {  	s7 =	simm.s32 $0x0;
	s20 =	sshll.u32 s5, $0x1;
	s5 =	sadd.s32 s21, s3  }
0x9d: {  	[timem:s7], [sflag:s22] =	dma.local [hbm:s5], s20  }
0x9e: {  	_ =	swait.ge [sflag:s22], s20  }
0x9f: {  	s4 =	ssub.s32 $0x0, s20;
	[sflag:s22] =	ssyncset.done $0x0  }
0xa0: {  	[sflag:s22] =	ssyncadd.s32 s4;
	_ =	sdelay $0x1  }
0xa1: {  	s23 =	simm.s32 $0x1B8B  }
0xa2: {  	_ =	swait.ge [sflag:s23], $0x1  }
0xa3: {  	[sflag:s23] =	ssyncset.done $0x0  }
0xa4: {  	s25 =	simm.s32 $0x1B8E;
	s24 =	sld [smem:$0x3FFE];
	[sflag:s23] =	ssyncadd.s32 $0xFFFFFFFF  }
0xa5: {  	s26 =	simm.s32 $execute0_lowered;
	[smem:$0x3FD2] =	sst s25  }
0xa6: {  	s5 =	sshll.u32 s26, $0x1;
	_ =	strace $0x80000046;
	[dreg:$0x1] =	wrdreg $0xFFFFFFFF  }
0xa7: {  	s28 =	simm.s32 $_size_execute0_lowered;
	s3 =	sadd.s32 s3, s5;
	[dreg:$0x0] =	wrdreg $0x0  }
0xa8: {  	s5 =	sshll.u32 s28, $0x1;
	[dreg:$0x2] =	wrdreg s3  }
0xa9: {  	[dreg:$0x3] =	wrdreg s5  }
0xaa: {  	[dreg:$0x4] =	wrdreg $0xC0  }
0xab: {  	_ =	task [dreg:s7], $0x5FFFF  }
0xac: {  	[dreg:$0x1] =	wrdreg $0xFFFFFFFF  }
0xad: {  	[dreg:$0x0] =	wrdreg $0x60  }
0xae: {  	[dreg:$0x2] =	wrdreg s2  }
0xaf: {  	[dreg:$0x3] =	wrdreg s24  }
0xb0: {  	[dreg:$0x4] =	wrdreg $0x9  }
0xb1: {  	_ =	task.clear_ibuf [dreg:s7], $0x5FFFF;
	_ =	strace $0x90000046  }
0xb2: {  	s29 =	simm.s32 $0x9;
	_ =	strace $0x80000048  }
0xb3: {  	_ =	swait.ge [sflag:s29], $0x1  }
0xb4: {  	[sflag:s29] =	ssyncadd.s32 $0xFFFFFFFF  }
0xb5: {  	_ =	strace $0x90000048  }
0xb6: {  	_ =	sfence  }
0xb7: {  	s30 =	sld [smem:$0x0];
	_ =	sdelay $0x2  }
0xb8: {  	s31 =	sshll.u32 s1, $0xD;
	s1 =	sshrl.u32 s1, $0x2  }
0xb9: {  	s3 =	sand.u32 $0x4000, s31;
	s1 =	sadd.s32 s1, s30  }
0xba: {  	s0 =	sor.u32 s3, s0;
	s1 =	sshll.u32 s1, $0x11  }
0xbb: {  	s0 =	sor.u32 s1, s0  }
0xbc: {  	s0 =	sadd.s32 $0x8F2B, s0  }
0xbd: {  	[sflag:s0] =	ssyncadd.remote.s32 $0x1  }
0xbe: {  	_ =	sfence.sel $0xFFFF  }
0xbf: {  	[dreg:$0x0] =	wrdreg $0xFFFFFFFF;
	(pc) =	sbr.abs _section_cstart, $3  }
0xc0: {  	[dreg:$0x1] =	wrdreg $0xFFFFFFFF  }
0xc1: {  	_ =	task.clear_ibuf [dreg:s7], $0x2FFFF;
	_ =	strace $0x9FFFFFFF  }
0xc2: {  	(tm) =	ssettm $0x7FFFFFFF  }
0xc3: {  	_ =	shalt  }
tec
execute0_lowered:
.L_overlay_start_1:
0x0: {  	(tag) =	ssettag $0x1  }
0x1: {  	s1 =	rddreg [dreg:$0x0]  }
0x2: {  	s0 =	rddreg [dreg:$0x1];
	s3 =	simm.s32 $0x0;
	s2 =	srdreg.scid  }
0x3: {  	s11 =	stileid.u32;
	s15 =	simm.s32 $0x3;
	s16 =	simm.s32 $0x100  }
0x4: {  	s17 =	simm.s32 $0x80;
	s19 =	simm.s32 $0x4400;
	s28 =	simm.s32 $0x400  }
0x5: {  	s29 =	simm.s32 $0x0;
	[smem:$0x7FF] =	sst s3;
	s2 =	sand.u32 $0x1, s2  }
0x6: {  	s4 =	sshll.u32 s11, $0x1;
	s6 =	sshll.u32 s11, $0x7;
	s9 =	sadd.s32 $0x6C00, s0  }
0x7: {  	s26 =	sshll.u32 s11, $0xD;
	_ =	strace $0x80000047;
	s5 =	sor.u32 s2, s4  }
0x8: {  	s4 =	sadd.s32 $0x800, s0;
	s8 =	ssub.s32 $0x2, s2;
	s6 =	sand.u32 $0x700, s6  }
0x9: {  	s11 =	sadd.s32 s26, s9;
	s2 =	sshll.u32 s2, $0xC;
	s26 =	simm.s32 $0x2  }
0xa: {  	s7 =	sshll.u32 s5, $0x5;
	s10 =	sshrl.u32 s8, $0x1;
	s24 =	sshll.u32 s5, $0xC  }
0xb: {  	s25 =	smin.u32 s5, $0xF;
	s2 =	sadd.s32 s2, s11;
	s14 =	sor.u32 $0x40, s5  }
0xc: {  	s5 =	simm.s32 $0x180;
	s7 =	sand.u32 $0x60, s7;
	s8 =	ssub.s32 s8, s10  }
0xd: {  	s10 =	sadd.s32 s9, s24;
	s12 =	sadd.s32 $0x20000, s2;
	s2 =	simm.s32 $0x2400  }
0xe: {  	s7 =	sor.u32 s6, s7;
	s6 =	sadd.s32 $0x880, s0;
	s31 =	smax.u32 s8, $0x1  }
0xf: {  	s24 =	simm.s32 $0x40;
	s0 =	sadd.s32 s7, s6;
	[dreg:$0x7] =	wrdreg s31  }
0x10: {  	s21 =	sadd.s32 s4, s7;
	s7 =	sshll.u32 s25, $0xC;
	[dreg:$0x4] =	wrdreg s0  }
0x11: {  	s25 =	simm.s32 $0x1;
	s22 =	sadd.s32 $0x800, s21;
	[dreg:$0x3] =	wrdreg s21  }
0x12: {  	s23 =	sadd.s32 $0x880, s21;
	s30 =	sadd.s32 s7, s9;
	[dreg:$0x5] =	wrdreg s22  }
0x13: {  	s7 =	simm.s32 $0x6400;
	[dreg:$0x6] =	wrdreg s23;
	s11 =	sadd.s32 $0x180000, s30  }
.LBB2_1:
0x14: {  	s0 =	rddreg [dreg:$0x3]  }
0x15: {  	[tilespmem:s3], [sflag:$0x3] =	stream.linear.gather [hbm4b:s0+s3], $0x100, $0x38;
	[tilespmem:$0x10400] =	vst v63  }
0x16: {  	_ =	swait.ge [sflag:s15], $0x100  }
0x17: {  	[sflag:s15] =	ssyncset.done $0x0  }
0x18: {  	s23 =	rddreg [dreg:$0x4];
	[sflag:s15] =	ssyncadd.s32 $0xFFFFFF00  }
0x19: {  	[tilespmem:s16], [sflag:$0x3] =	stream.linear.gather [hbm4b:s23+s3], $0x100, $0x38;
	[tilespmem:$0x10400] =	vst v63  }
0x1a: {  	_ =	swait.ge [sflag:s15], $0x100  }
0x1b: {  	[sflag:s15] =	ssyncset.done $0x0  }
0x1c: {  	[sflag:s15] =	ssyncadd.s32 $0xFFFFFF00  }
0x1d: {  	[tilespmem:s28], [sflag:$0x1] =	stream.indirect.gather [hbm4b:s1+s17], $0x40, s3, s17, $0xb8;
	[tilespmem:$0x10400] =	vst v63  }
0x1e: {  	_ = 	snop  }
0x1f: {  	[tilespmem:s2], [sflag:$0x1] =	stream.indirect.gather [hbm4b:s1+s17], $0x40, s17, s17, $0xb8;
	[tilespmem:$0x10400] =	vst v63  }
0x20: {  	_ = 	snop  }
0x21: {  	[tilespmem:s19], [sflag:$0x1] =	stream.indirect.gather [hbm4b:s1+s17], $0x40, s16, s17, $0xb8;
	[tilespmem:$0x10400] =	vst v63  }
0x22: {  	_ = 	snop  }
0x23: {  	[tilespmem:s7], [sflag:$0x1] =	stream.indirect.gather [hbm4b:s1+s17], $0x40, s5, s17, $0xb8;
	[tilespmem:$0x10400] =	vst v63  }
0x24: {  	s5 =	rddreg [dreg:$0x5];
	s7 =	simm.s32 $0x200  }
0x25: {  	[tilespmem:s7], [sflag:$0x3] =	stream.linear.gather [hbm4b:s5+s3], $0x100, $0x38;
	[tilespmem:$0x10400] =	vst v63  }
0x26: {  	_ =	swait.ge [sflag:s15], $0x100  }
0x27: {  	[sflag:s15] =	ssyncset.done $0x0  }
0x28: {  	s9 =	simm.s32 $0x300;
	s8 =	rddreg [dreg:$0x6];
	[sflag:s15] =	ssyncadd.s32 $0xFFFFFF00  }
0x29: {  	[tilespmem:s9], [sflag:$0x3] =	stream.linear.gather [hbm4b:s8+s3], $0x100, $0x38;
	[tilespmem:$0x10400] =	vst v63  }
0x2a: {  	_ =	swait.ge [sflag:s15], $0x100  }
0x2b: {  	[sflag:s15] =	ssyncset.done $0x0  }
0x2c: {  	[sflag:s15] =	ssyncadd.s32 $0xFFFFFF00  }
0x2d: {  	_ =	swait.ge [sflag:s25], $0x2000  }
0x2e: {  	[sflag:s25] =	ssyncset.done $0x0  }
0x2f: {  	[sflag:s25] =	ssyncadd.s32 $0xFFFFE000  }
0x30: {  	_ =	swait.ge [sflag:s25], $0x2000  }
0x31: {  	[sflag:s25] =	ssyncset.done $0x0  }
0x32: {  	[sflag:s25] =	ssyncadd.s32 $0xFFFFE000  }
0x33: {  	_ =	swait.ge [sflag:s25], $0x2000  }
0x34: {  	[sflag:s25] =	ssyncset.done $0x0  }
0x35: {  	[sflag:s25] =	ssyncadd.s32 $0xFFFFE000  }
0x36: {  	_ =	swait.ge [sflag:s25], $0x2000  }
0x37: {  	p0 =	slt.s32 s14, $0x18F;
	s18 =	sand.u32 $0x1, s25;
	[sflag:s25] =	ssyncset.done $0x0  }
0x38: {  	s0 =	smov.u32 s14;
	s21 =	sshll.u32 s18, $0xF;
	[sflag:s25] =	ssyncadd.s32 $0xFFFFE000  }
0x39: {  	[hbm4b:s10+s24] =	stream.strided.scatter [tilespmem:s28], [sflag:$0x2], $0x4000, s17, s24, $0x38;
	[tilespmem:$0x10400] =	vst v63  }
0x3a: {  	s13 =	sadd.s32 $0x8, s10;
	s0 =	simm.s32 @!p0 $0x18F;
	s31 =	sor.u32 $0x400, s21  }
0x3b: {  	[hbm4b:s13+s24] =	stream.strided.scatter [tilespmem:s19], [sflag:$0x2], $0x4000, s17, s24, $0x38;
	[tilespmem:$0x10400] =	vst v63  }
0x3c: {  	s20 =	sshll.u32 s0, $0x6;
	s0 =	sshll.u32 s0, $0x5;
	s2 =	sshll.u32 s18, $0x9  }
0x3d: {  	[tilespmem:s31], [sflag:$0x1] =	stream.indirect.gather [hbm4b:s1+s17], $0x40, s2, s17, $0xb8;
	[tilespmem:$0x10400] =	vst v63  }
0x3e: {  	s22 =	sand.u32 $0x60, s0;
	s8 =	sor.u32 $0x2400, s21;
	s9 =	sor.u32 $0x80, s2  }
0x3f: {  	[tilespmem:s8], [sflag:$0x1] =	stream.indirect.gather [hbm4b:s1+s17], $0x40, s9, s17, $0xb8;
	[tilespmem:$0x10400] =	vst v63  }
0x40: {  	s0 =	sor.u32 $0x4400, s21;
	s23 =	sor.u32 $0x100, s2;
	s5 =	sand.u32 $0x7F00, s20  }
0x41: {  	[tilespmem:s0], [sflag:$0x1] =	stream.indirect.gather [hbm4b:s1+s17], $0x40, s23, s17, $0xb8;
	[tilespmem:$0x10400] =	vst v63  }
0x42: {  	s7 =	sor.u32 $0x6400, s21;
	s5 =	sor.u32 s22, s5;
	s2 =	sor.u32 $0x180, s2  }
0x43: {  	[tilespmem:s7], [sflag:$0x1] =	stream.indirect.gather [hbm4b:s1+s17], $0x40, s2, s17, $0xb8;
	[tilespmem:$0x10400] =	vst v63  }
0x44: {  	s8 =	sand.u32 $0x200, s28;
	s9 =	sadd.s32 s4, s5  }
0x45: {  	[tilespmem:s8], [sflag:$0x3] =	stream.linear.gather [hbm4b:s9+s3], $0x100, $0x38;
	[tilespmem:$0x10400] =	vst v63  }
0x46: {  	_ =	swait.ge [sflag:s15], $0x100  }
0x47: {  	[sflag:s15] =	ssyncset.done $0x0  }
0x48: {  	s5 =	sadd.s32 s5, s6;
	s2 =	sor.u32 $0x100, s8;
	[sflag:s15] =	ssyncadd.s32 $0xFFFFFF00  }
0x49: {  	[tilespmem:s2], [sflag:$0x3] =	stream.linear.gather [hbm4b:s5+s3], $0x100, $0x38;
	[tilespmem:$0x10400] =	vst v63  }
0x4a: {  	_ =	swait.ge [sflag:s15], $0x100  }
0x4b: {  	[sflag:s15] =	ssyncset.done $0x0  }
0x4c: {  	[sflag:s15] =	ssyncadd.s32 $0xFFFFFF00  }
0x4d: {  	_ =	swait.ge [sflag:s25], $0x2000  }
0x4e: {  	[sflag:s25] =	ssyncset.done $0x0  }
0x4f: {  	[sflag:s25] =	ssyncadd.s32 $0xFFFFE000  }
0x50: {  	_ =	swait.ge [sflag:s25], $0x2000  }
0x51: {  	[sflag:s25] =	ssyncset.done $0x0  }
0x52: {  	[sflag:s25] =	ssyncadd.s32 $0xFFFFE000  }
0x53: {  	_ =	swait.ge [sflag:s25], $0x2000  }
0x54: {  	[sflag:s25] =	ssyncset.done $0x0  }
0x55: {  	s20 =	simm.s32 $0x2;
	[sflag:s25] =	ssyncadd.s32 $0xFFFFE000  }
0x56: {  	s20 =	sand.u32 $0x1, s20;
	_ =	swait.ge [sflag:s25], $0x2000  }
0x57: {  	s30 =	sadd.s32 $0x20000, s12;
	s18 =	sshll.u32 s20, $0xF;
	[sflag:s25] =	ssyncset.done $0x0  }
0x58: {  	s21 =	sadd.s32 $0x8, s12;
	s13 =	sadd.s32 $0x20, s14;
	[sflag:s25] =	ssyncadd.s32 $0xFFFFE000  }
0x59: {  	p0 =	slt.s32 s13, $0x18F;
	s2 =	smov.u32 s13;
	_ =	swait.ge [sflag:s26], $0x4000  }
0x5a: {  	s7 =	sadd.s32 $0x20, s13;
	s2 =	simm.s32 @!p0 $0x18F;
	[sflag:s26] =	ssyncset.done $0x0  }
0x5b: {  	s8 =	simm.s32 $0x3;
	s23 =	sshll.u32 s2, $0x6;
	[sflag:s26] =	ssyncadd.s32 $0xFFFFC000  }
0x5c: {  	s13 =	smov.u32 s12;
	s22 =	sand.u32 $0x7F00, s23;
	_ =	swait.ge [sflag:s26], $0x4000  }
0x5d: {  	s23 =	sshll.u32 s2, $0x5;
	s2 =	simm.s32 $0x600;
	[sflag:s26] =	ssyncset.done $0x0  }
.LBB2_2:
0x5e: {  	p0 =	slt.s32 s7, $0x18F  }
0x5f: {  	[sflag:s26] =	ssyncadd.s32 $0xFFFFC000;
	s9 =	smov.u32 s8;
	s5 =	sadd.s32 $0x1, s8  }
0x60: {  	[hbm4b:s13+s24] =	stream.strided.scatter [tilespmem:s31], [sflag:$0x2], $0x4000, s17, s24, $0x38;
	[tilespmem:$0x10400] =	vst v63  }
0x61: {  	s13 =	smov.u32 s7  }
0x62: {  	s13 =	simm.s32 @!p0 $0x18F;
	p0 =	sne.s32 s8, $0xB;
	s8 =	sand.u32 $0x60, s23  }
0x63: {  	[hbm4b:s21+s24] =	stream.strided.scatter [tilespmem:s0], [sflag:$0x2], $0x4000, s17, s24, $0x38;
	[tilespmem:$0x10400] =	vst v63  }
0x64: {  	s20 =	sshll.u32 s20, $0x9;
	s31 =	sor.u32 $0x400, s18;
	s0 =	sshll.u32 s13, $0x6  }
0x65: {  	[tilespmem:s31], [sflag:$0x1] =	stream.indirect.gather [hbm4b:s1+s17], $0x40, s20, s17, $0xb8;
	[tilespmem:$0x10400] =	vst v63  }
0x66: {  	s23 =	sor.u32 $0x80, s20;
	s21 =	sand.u32 $0x7F00, s0;
	s0 =	sor.u32 $0x2400, s18  }
0x67: {  	[tilespmem:s0], [sflag:$0x1] =	stream.indirect.gather [hbm4b:s1+s17], $0x40, s23, s17, $0xb8;
	[tilespmem:$0x10400] =	vst v63  }
0x68: {  	s23 =	sshll.u32 s13, $0x5;
	s0 =	sor.u32 $0x4400, s18;
	s13 =	sor.u32 $0x100, s20  }
0x69: {  	[tilespmem:s0], [sflag:$0x1] =	stream.indirect.gather [hbm4b:s1+s17], $0x40, s13, s17, $0xb8;
	[tilespmem:$0x10400] =	vst v63  }
0x6a: {  	s8 =	sor.u32 s8, s22;
	s13 =	sor.u32 $0x6400, s18;
	s18 =	sor.u32 $0x180, s20  }
0x6b: {  	[tilespmem:s13], [sflag:$0x1] =	stream.indirect.gather [hbm4b:s1+s17], $0x40, s18, s17, $0xb8;
	[tilespmem:$0x10400] =	vst v63  }
0x6c: {  	s22 =	smov.u32 s21;
	s18 =	sand.u32 $0x200, s2;
	s13 =	sadd.s32 s4, s8  }
0x6d: {  	[tilespmem:s18], [sflag:$0x3] =	stream.linear.gather [hbm4b:s13+s3], $0x100, $0x38;
	[tilespmem:$0x10400] =	vst v63  }
0x6e: {  	s13 =	smov.u32 s30;
	_ =	swait.ge [sflag:s15], $0x100  }
0x6f: {  	[sflag:s15] =	ssyncset.done $0x0  }
0x70: {  	s8 =	sadd.s32 s8, s6;
	s18 =	sor.u32 $0x100, s18;
	[sflag:s15] =	ssyncadd.s32 $0xFFFFFF00  }
0x71: {  	[tilespmem:s18], [sflag:$0x3] =	stream.linear.gather [hbm4b:s8+s3], $0x100, $0x38;
	[tilespmem:$0x10400] =	vst v63  }
0x72: {  	_ =	swait.ge [sflag:s15], $0x100  }
0x73: {  	[sflag:s15] =	ssyncset.done $0x0  }
0x74: {  	[sflag:s15] =	ssyncadd.s32 $0xFFFFFF00  }
0x75: {  	_ =	swait.ge [sflag:s25], $0x2000  }
0x76: {  	[sflag:s25] =	ssyncset.done $0x0  }
0x77: {  	[sflag:s25] =	ssyncadd.s32 $0xFFFFE000  }
0x78: {  	_ =	swait.ge [sflag:s25], $0x2000  }
0x79: {  	[sflag:s25] =	ssyncset.done $0x0  }
0x7a: {  	[sflag:s25] =	ssyncadd.s32 $0xFFFFE000  }
0x7b: {  	_ =	swait.ge [sflag:s25], $0x2000  }
0x7c: {  	[sflag:s25] =	ssyncset.done $0x0  }
0x7d: {  	[sflag:s25] =	ssyncadd.s32 $0xFFFFE000  }
0x7e: {  	_ =	swait.ge [sflag:s25], $0x2000  }
0x7f: {  	[sflag:s25] =	ssyncset.done $0x0  }
0x80: {  	[sflag:s25] =	ssyncadd.s32 $0xFFFFE000  }
.Ltmp0:
0x81: {  	_ =	swait.ge [sflag:s26], $0x4000;
	(pc) =	sbr.rel @p0 .LBB2_2-.Ltmp0, $4  }
0x82: {  	s7 =	sadd.s32 $0x20, s7;
	[sflag:s26] =	ssyncset.done $0x0  }
0x83: {  	s21 =	sadd.s32 $0x8, s30;
	s2 =	sadd.s32 $0x200, s2;
	[sflag:s26] =	ssyncadd.s32 $0xFFFFC000  }
0x84: {  	s20 =	sand.u32 $0x1, s9;
	s30 =	sadd.s32 $0x20000, s30;
	_ =	swait.ge [sflag:s26], $0x4000  }
0x85: {  	s18 =	sshll.u32 s20, $0xF;
	s8 =	smov.u32 s5;
	[sflag:s26] =	ssyncset.done $0x0  }
0x86: {  	[sflag:s26] =	ssyncadd.s32 $0xFFFFC000  }
0x87: {  	[hbm4b:s13+s24] =	stream.strided.scatter [tilespmem:s31], [sflag:$0x2], $0x4000, s17, s24, $0x38;
	[tilespmem:$0x10400] =	vst v63  }
0x88: {  	_ = 	snop  }
0x89: {  	[hbm4b:s21+s24] =	stream.strided.scatter [tilespmem:s0], [sflag:$0x2], $0x4000, s17, s24, $0x38;
	[tilespmem:$0x10400] =	vst v63  }
0x8a: {  	s5 =	sshll.u32 s20, $0x9;
	s31 =	sor.u32 $0x400, s18  }
0x8b: {  	[tilespmem:s31], [sflag:$0x1] =	stream.indirect.gather [hbm4b:s1+s17], $0x40, s5, s17, $0xb8;
	[tilespmem:$0x10400] =	vst v63  }
0x8c: {  	s7 =	sor.u32 $0x2400, s18;
	s8 =	sor.u32 $0x80, s5  }
0x8d: {  	[tilespmem:s7], [sflag:$0x1] =	stream.indirect.gather [hbm4b:s1+s17], $0x40, s8, s17, $0xb8;
	[tilespmem:$0x10400] =	vst v63  }
0x8e: {  	s9 =	sor.u32 $0x4400, s18;
	s13 =	sor.u32 $0x100, s5  }
0x8f: {  	[tilespmem:s9], [sflag:$0x1] =	stream.indirect.gather [hbm4b:s1+s17], $0x40, s13, s17, $0xb8;
	[tilespmem:$0x10400] =	vst v63  }
0x90: {  	s20 =	sor.u32 $0x6400, s18;
	s21 =	sand.u32 $0x60, s23;
	s5 =	sor.u32 $0x180, s5  }
0x91: {  	[tilespmem:s20], [sflag:$0x1] =	stream.indirect.gather [hbm4b:s1+s17], $0x40, s5, s17, $0xb8;
	[tilespmem:$0x10400] =	vst v63  }
0x92: {  	s5 =	sor.u32 s21, s22  }
0x93: {  	s2 =	sand.u32 $0x200, s2;
	s22 =	sadd.s32 s4, s5  }
0x94: {  	[tilespmem:s2], [sflag:$0x3] =	stream.linear.gather [hbm4b:s22+s3], $0x100, $0x38;
	[tilespmem:$0x10400] =	vst v63  }
0x95: {  	_ =	swait.ge [sflag:s15], $0x100  }
0x96: {  	[sflag:s15] =	ssyncset.done $0x0  }
0x97: {  	s5 =	sadd.s32 s5, s6;
	s2 =	sor.u32 $0x100, s2;
	[sflag:s15] =	ssyncadd.s32 $0xFFFFFF00  }
0x98: {  	[tilespmem:s2], [sflag:$0x3] =	stream.linear.gather [hbm4b:s5+s3], $0x100, $0x38;
	[tilespmem:$0x10400] =	vst v63  }
0x99: {  	_ =	swait.ge [sflag:s15], $0x100  }
0x9a: {  	[sflag:s15] =	ssyncset.done $0x0  }
0x9b: {  	[sflag:s15] =	ssyncadd.s32 $0xFFFFFF00  }
0x9c: {  	_ =	swait.ge [sflag:s25], $0x2000  }
0x9d: {  	[sflag:s25] =	ssyncset.done $0x0  }
0x9e: {  	[sflag:s25] =	ssyncadd.s32 $0xFFFFE000  }
0x9f: {  	_ =	swait.ge [sflag:s25], $0x2000  }
0xa0: {  	[sflag:s25] =	ssyncset.done $0x0  }
0xa1: {  	[sflag:s25] =	ssyncadd.s32 $0xFFFFE000  }
0xa2: {  	_ =	swait.ge [sflag:s25], $0x2000  }
0xa3: {  	[sflag:s25] =	ssyncset.done $0x0  }
0xa4: {  	[sflag:s25] =	ssyncadd.s32 $0xFFFFE000  }
0xa5: {  	_ =	swait.ge [sflag:s25], $0x2000  }
0xa6: {  	[sflag:s25] =	ssyncset.done $0x0  }
0xa7: {  	[sflag:s25] =	ssyncadd.s32 $0xFFFFE000  }
0xa8: {  	_ =	swait.ge [sflag:s26], $0x4000  }
0xa9: {  	[sflag:s26] =	ssyncset.done $0x0  }
0xaa: {  	[sflag:s26] =	ssyncadd.s32 $0xFFFFC000  }
0xab: {  	_ =	swait.ge [sflag:s26], $0x4000  }
0xac: {  	[sflag:s26] =	ssyncset.done $0x0  }
0xad: {  	[sflag:s26] =	ssyncadd.s32 $0xFFFFC000  }
0xae: {  	[hbm4b:s30+s24] =	stream.strided.scatter [tilespmem:s31], [sflag:$0x2], $0x4000, s17, s24, $0x38;
	[tilespmem:$0x10400] =	vst v63  }
0xaf: {  	s23 =	sadd.s32 $0x8, s30  }
0xb0: {  	[hbm4b:s23+s24] =	stream.strided.scatter [tilespmem:s9], [sflag:$0x2], $0x4000, s17, s24, $0x38;
	[tilespmem:$0x10400] =	vst v63  }
0xb1: {  	_ = 	snop  }
0xb2: {  	[tilespmem:s28], [sflag:$0x1] =	stream.indirect.gather [hbm4b:s1+s17], $0x40, s3, s17, $0xb8;
	[tilespmem:$0x10400] =	vst v63  }
0xb3: {  	s2 =	simm.s32 $0x2400  }
0xb4: {  	[tilespmem:s2], [sflag:$0x1] =	stream.indirect.gather [hbm4b:s1+s17], $0x40, s17, s17, $0xb8;
	[tilespmem:$0x10400] =	vst v63  }
0xb5: {  	_ = 	snop  }
0xb6: {  	[tilespmem:s19], [sflag:$0x1] =	stream.indirect.gather [hbm4b:s1+s17], $0x40, s16, s17, $0xb8;
	[tilespmem:$0x10400] =	vst v63  }
0xb7: {  	s7 =	simm.s32 $0x6400;
	s5 =	simm.s32 $0x180  }
0xb8: {  	[tilespmem:s7], [sflag:$0x1] =	stream.indirect.gather [hbm4b:s1+s17], $0x40, s5, s17, $0xb8;
	[tilespmem:$0x10400] =	vst v63  }
0xb9: {  	_ =	swait.ge [sflag:s25], $0x2000  }
0xba: {  	[sflag:s25] =	ssyncset.done $0x0  }
0xbb: {  	[sflag:s25] =	ssyncadd.s32 $0xFFFFE000  }
0xbc: {  	_ =	swait.ge [sflag:s25], $0x2000  }
0xbd: {  	[sflag:s25] =	ssyncset.done $0x0  }
0xbe: {  	[sflag:s25] =	ssyncadd.s32 $0xFFFFE000  }
0xbf: {  	_ =	swait.ge [sflag:s25], $0x2000  }
0xc0: {  	[sflag:s25] =	ssyncset.done $0x0  }
0xc1: {  	[sflag:s25] =	ssyncadd.s32 $0xFFFFE000  }
0xc2: {  	_ =	swait.ge [sflag:s25], $0x2000  }
0xc3: {  	[sflag:s25] =	ssyncset.done $0x0  }
0xc4: {  	[sflag:s25] =	ssyncadd.s32 $0xFFFFE000  }
0xc5: {  	_ =	swait.ge [sflag:s26], $0x4000  }
0xc6: {  	[sflag:s26] =	ssyncset.done $0x0  }
0xc7: {  	[sflag:s26] =	ssyncadd.s32 $0xFFFFC000  }
0xc8: {  	_ =	swait.ge [sflag:s26], $0x4000  }
0xc9: {  	[sflag:s26] =	ssyncset.done $0x0  }
0xca: {  	[sflag:s26] =	ssyncadd.s32 $0xFFFFC000  }
0xcb: {  	[hbm4b:s11+s24] =	stream.strided.scatter [tilespmem:s28], [sflag:$0x2], $0x4000, s17, s24, $0x38;
	[tilespmem:$0x10400] =	vst v63  }
0xcc: {  	s30 =	sadd.s32 $0x8, s11  }
0xcd: {  	[hbm4b:s30+s24] =	stream.strided.scatter [tilespmem:s19], [sflag:$0x2], $0x4000, s17, s24, $0x38;
	[tilespmem:$0x10400] =	vst v63  }
0xce: {  	_ =	swait.ge [sflag:s26], $0x4000  }
0xcf: {  	[sflag:s26] =	ssyncset.done $0x0  }
0xd0: {  	[sflag:s26] =	ssyncadd.s32 $0xFFFFC000  }
0xd1: {  	_ =	swait.ge [sflag:s26], $0x4000  }
0xd2: {  	s29 =	sadd.s32 $0x1, s29;
	s31 =	rddreg [dreg:$0x7]  }
0xd3: {  	p0 =	sne.s32 s29, s31  }
.Ltmp1:
0xd4: {  	_ = 	snop;
	(pc) =	sbr.rel @p0 .LBB2_1-.Ltmp1, $3  }
0xd5: {  	_ =	sdelay $0x1  }
0xd6: {  	[sflag:s26] =	ssyncset.done $0x0  }
0xd7: {  	[sflag:s26] =	ssyncadd.s32 $0xFFFFC000  }
0xd8: {  	_ =	sfence.sel $0x180000  }
0xd9: {  	[bflag:$0x0] =	sbarrier.arrive $0xFFFF  }
0xda: {  	_ =	strace $0x90000047  }
0xdb: {  	s0 =	stileid.u32;
	[bflag:$0x2] =	sbarrier.arrive $0xFFFF  }
0xdc: {  	p0 =	sne.s32 s0, $0x0;
	s0 =	rddreg [dreg:$0x2]  }
0xdd: {  	s0 =	sadd.s32 @!p0 $0x100000, s0  }
0xde: {  	[sflag:s0] =	ssyncadd.tile.s32 @!p0 $0x1;
	_ =	shalt  }
.Lfunc_end2:
_tile_overlayer_lowered:
.L_overlay_start_2:
0xdf: {  	(tag) =	ssettag $0x2  }
0xe0: {  	s0 =	rddreg [dreg:$0x0];
	s2 =	stileid.u32  }
0xe1: {  	s1 =	rddreg [dreg:$0x1];
	p0 =	sne.s32 s2, $0x0  }
0xe2: {  	s3 =	rddreg [dreg:$0x2];
	[bflag:$0x3] =	sbarrier.arrive $0xFFFF;
	s2 =	simm.s32 @!p0 $0x1C03  }
0xe3: {  	[timem:s3], [sflag:s2] =	dma.local @!p0 [hbm:s0], s1  }
0xe4: {  	s0 =	simm.s32 @!p0 $0x3  }
0xe5: {  	_ =	swait.ge @!p0 [sflag:s0], s1  }
0xe6: {  	s1 =	ssub.s32 @!p0 $0x0, s1;
	[sflag:s0] =	ssyncset.done @!p0 $0x0  }
0xe7: {  	[sflag:s0] =	ssyncadd.s32 @!p0 s1  }
0xe8: {  	[bflag:$0x3] =	sbarrier.arrive $0xFFFF  }
0xe9: {  	_ =	shalt  }

</sc_bundles>
